<compile_context>
chip_gen: v7x
topology: tpu7x:2x2x1
jax: 0.10.2.dev20260603
libtpu: 0.0.44.dev20260713+nightly
codegen_flags: <defaults>
</compile_context>

<pallas_src>
import functools

import jax
import jax.numpy as jnp
from jax import lax
from jax.experimental import pallas as pl
from jax.experimental.pallas import tpu as pltpu
from jax.experimental.pallas import tpu_sc as plsc

VOCAB = 1000000
HIDDEN = 64
BATCH = 16384

NC = 2
NS = 16
NW = NC * NS
BPW = BATCH // NW
G = 16
SROW = 128
VPAD = 1000448
NSROW = VPAD // SROW

_DN = (((0,), (0,)), ((), ()))
_BLKV = 8192


def _k1_body(tabT_ref, w1_ref, b1_ref, w2_ref, b2_ref, out_ref):
    h = lax.dot_general(w1_ref[...], tabT_ref[...], _DN,
                        preferred_element_type=jnp.float32)
    h = jnp.maximum(h + b1_ref[...], 0.0)
    logits = lax.dot_general(w2_ref[...], h, _DN,
                             preferred_element_type=jnp.float32)
    out_ref[...] = jax.nn.sigmoid(logits + b2_ref[...])


def _tc_vocab_eval(tabT, W1, b1, W2, b2):
    grid = ((VOCAB + _BLKV - 1) // _BLKV,)
    return pl.pallas_call(
        _k1_body,
        grid=grid,
        in_specs=[
            pl.BlockSpec((HIDDEN, _BLKV), lambda i: (0, i)),
            pl.BlockSpec((HIDDEN, 128), lambda i: (0, 0)),
            pl.BlockSpec((128, 1), lambda i: (0, 0)),
            pl.BlockSpec((128, 1), lambda i: (0, 0)),
            pl.BlockSpec((1, 1), lambda i: (0, 0)),
        ],
        out_specs=pl.BlockSpec((1, _BLKV), lambda i: (0, i)),
        out_shape=jax.ShapeDtypeStruct((1, VOCAB), jnp.float32),
    )(tabT, W1, b1, W2, b2)


@functools.lru_cache(maxsize=1)
def _sc_gather_build():
    mesh = plsc.VectorSubcoreMesh(core_axis_name="c", subcore_axis_name="s")

    @functools.partial(
        pl.kernel,
        mesh=mesh,
        out_type=jax.ShapeDtypeStruct((BATCH, SROW), jnp.float32),
        scratch_types=[
            pltpu.VMEM((BPW,), jnp.int32),
            pltpu.VMEM((BPW, SROW), jnp.float32),
            pltpu.SemaphoreType.DMA,
        ],
    )
    def gather_kernel(sig_hbm, tok_hbm, out_hbm, tok_v, rows_v, sem):
        wid = lax.axis_index("s") * NC + lax.axis_index("c")
        pltpu.sync_copy(tok_hbm.at[wid], tok_v)

        def fire_group(g):
            v16 = tok_v[pl.ds(g * G, G)]
            for j in range(G):
                r = v16[j] >> 7
                pltpu.async_copy(
                    sig_hbm.at[r >> 3, r & 7],
                    rows_v.at[g * G + j],
                    sem,
                )

        def drain_group(g):
            pltpu.make_async_copy(
                out_hbm.at[pl.ds(0, G)],
                rows_v.at[pl.ds(g * G, G)],
                sem,
            ).wait()

        def head(g, _):
            fire_group(g)
            return 0

        def pipelined(g, _):
            fire_group(g)
            drain_group(g - 1)
            return 0

        lax.fori_loop(0, 1, head, 0)
        lax.fori_loop(1, BPW // G, pipelined, 0)
        drain_group(BPW // G - 1)
        pltpu.sync_copy(rows_v, out_hbm.at[pl.ds(wid * BPW, BPW)])

    return gather_kernel


_BLK = 4096


def _k2_body(vals_ref, tmod_ref, out_ref):
    lane = lax.broadcasted_iota(jnp.int32, (1, SROW), 1)
    sel = jnp.where(tmod_ref[...] == lane, vals_ref[...], 0.0)
    out_ref[...] = jnp.sum(sel, axis=1, keepdims=True)


def _tc_select(vals, tmod):
    grid = (BATCH // _BLK,)
    return pl.pallas_call(
        _k2_body,
        grid=grid,
        in_specs=[
            pl.BlockSpec((_BLK, SROW), lambda i: (i, 0)),
            pl.BlockSpec((_BLK, 1), lambda i: (i, 0)),
        ],
        out_specs=pl.BlockSpec((_BLK, 1), lambda i: (i, 0)),
        out_shape=jax.ShapeDtypeStruct((BATCH, 1), jnp.float32),
    )(vals, tmod)


def kernel(tool_token, table, W1, b1, W2, b2):
    tok = tool_token.astype(jnp.int32)
    tok2 = tok.reshape(NW, BPW)
    tmod = (tok & (SROW - 1)).reshape(BATCH, 1)
    tabT = table.T
    sig_row = _tc_vocab_eval(tabT, W1, b1.reshape(128, 1), W2,
                             b2.reshape(1, 1))
    sigp = jnp.pad(sig_row, ((0, 0), (0, VPAD - VOCAB)))
    sig3 = sigp.reshape(NSROW // 8, 8, SROW)
    vals = _sc_gather_build()(sig3, tok2)
    return _tc_select(vals, tmod)

# --- scband reference (transcript-rebuilt; emitter-appended) ---
"""Pipeline reference for scband-control-flow-classifier-40527311405524 (READ-ONLY COPY).

The authoritative reference and input builder live on the scoring server;
editing this copy changes nothing except your own understanding.
"""

import jax, jax.numpy as jnp
import numpy as np

VOCAB = 1000000
HIDDEN = 64
BATCH = 16384

def setup_inputs(seed: int = 0) -> dict:
    key = jax.random.key(seed)
    k1, k2, k3, k4, k5, k6 = jax.random.split(key, 6)
    tool_token = jax.random.randint(k1, (BATCH,), 0, VOCAB, dtype=jnp.int64 if jax.config.jax_enable_x64 else jnp.int32)
    table = jax.random.normal(k2, (VOCAB, HIDDEN), dtype=jnp.float32) * 0.02
    W1 = jax.random.normal(k3, (HIDDEN, 128), dtype=jnp.float32) * (1.0 / np.sqrt(HIDDEN))
    b1 = jnp.zeros((128,), dtype=jnp.float32)
    W2 = jax.random.normal(k4, (128, 1), dtype=jnp.float32) * (1.0 / np.sqrt(128))
    b2 = jnp.zeros((1,), dtype=jnp.float32)
    return {"tool_token": tool_token, "table": table, "W1": W1, "b1": b1, "W2": W2, "b2": b2}

def reference(tool_token, table, W1, b1, W2, b2):
    # embedding lookup (SparseCore gather)
    emb = jnp.take(table, tool_token, axis=0)  # [B, HIDDEN]
    # classifier MLP (Dropout is identity in eval mode)
    h = jnp.dot(emb, W1) + b1
    h = jax.nn.relu(h)
    logits = jnp.dot(h, W2) + b2
    return jax.nn.sigmoid(logits)  # [B, 1]

if __name__ == "__main__":
    import jax
    _d = setup_inputs()
    print(jax.jit(kernel)(*tuple(_d.values())))

</pallas_src>

<mosaic_0001>
#map = affine_map<(d0, d1) -> (0, 0, 0)>
#map1 = affine_map<(d0, d1) -> (0, 0)>
module attributes {stable_mosaic.version = 14 : i64} {
  func.func @gather_kernel(%arg0: i32, %arg1: i32, %arg2: memref<977x8x128xf32, #tpu.memory_space<hbm>>, %arg3: memref<32x512xi32, #tpu.memory_space<hbm>>, %arg4: memref<16384x128xf32, #tpu.memory_space<hbm>>, %arg5: memref<512xi32, #tpu.memory_space<vmem>>, %arg6: memref<512x128xf32, #tpu.memory_space<vmem>>, %arg7: memref<!tpu.dma_semaphore, #tpu.memory_space<semaphore_mem>>) attributes {dimension_semantics = [#tpu.dimension_semantics<core_parallel>, #tpu.dimension_semantics<subcore_parallel>], iteration_bounds = array<i64: 2, 16>, scalar_prefetch = 0 : i64, scratch_operands = 3 : i64, tpu.core_type = #tpu.core_type<sc_vector_subcore>, window_params = [{transform_indices = #map}, {transform_indices = #map1}, {transform_indices = #map1}]} {
    %mul3A = arith.constant 2 : i32
    %mul3A_0 = arith.muli %arg1, %mul3A : i32
    %add3A = arith.addi %mul3A_0, %arg0 : i32
    "tpu.region"() ({
      %run_scoped3A = tpu.sem_alloc : memref<!tpu.dma_semaphore, #tpu.memory_space<semaphore_mem>>
      %dma_start3A_407 = arith.constant 0 : i32
      %dma_start3A_408 = tpu.memref_slice %arg3[%add3A, %dma_start3A_407] : memref<32x512xi32, #tpu.memory_space<hbm>> -> memref<1x512xi32, #tpu.memory_space<hbm>>
      %dma_start3A_409 = tpu.memref_squeeze %dma_start3A_408 : memref<1x512xi32, #tpu.memory_space<hbm>> -> memref<512xi32, #tpu.memory_space<hbm>>
      %dma_start3A_410 = arith.constant 0 : i32
      %dma_start3A_411 = tpu.memref_slice %arg3[%add3A, %dma_start3A_410] : memref<32x512xi32, #tpu.memory_space<hbm>> -> memref<1x512xi32, #tpu.memory_space<hbm>>
      %dma_start3A_412 = tpu.memref_squeeze %dma_start3A_411 : memref<1x512xi32, #tpu.memory_space<hbm>> -> memref<512xi32, #tpu.memory_space<hbm>>
      tpu.enqueue_dma source(%dma_start3A_412 : memref<512xi32, #tpu.memory_space<hbm>>) target(%arg5 : memref<512xi32, #tpu.memory_space<vmem>>) target_semaphore(%run_scoped3A : memref<!tpu.dma_semaphore, #tpu.memory_space<semaphore_mem>>)
      %dma_wait3A_413 = arith.constant 0 : i32
      %dma_wait3A_414 = tpu.memref_slice %arg3[%add3A, %dma_wait3A_413] : memref<32x512xi32, #tpu.memory_space<hbm>> -> memref<1x512xi32, #tpu.memory_space<hbm>>
      %dma_wait3A_415 = tpu.memref_squeeze %dma_wait3A_414 : memref<1x512xi32, #tpu.memory_space<hbm>> -> memref<512xi32, #tpu.memory_space<hbm>>
      %dma_wait3A_416 = arith.constant 0 : i32
      %dma_wait3A_417 = tpu.memref_slice %arg3[%add3A, %dma_wait3A_416] : memref<32x512xi32, #tpu.memory_space<hbm>> -> memref<1x512xi32, #tpu.memory_space<hbm>>
      %dma_wait3A_418 = tpu.memref_squeeze %dma_wait3A_417 : memref<1x512xi32, #tpu.memory_space<hbm>> -> memref<512xi32, #tpu.memory_space<hbm>>
      tpu.wait_dma2 semaphore(%run_scoped3A : memref<!tpu.dma_semaphore, #tpu.memory_space<semaphore_mem>>) src(%dma_wait3A_418 : memref<512xi32, #tpu.memory_space<hbm>>) dst(%arg5 : memref<512xi32, #tpu.memory_space<vmem>>)
      tpu.yield
    }) : () -> ()
    %scan3A = arith.constant 0 : i32
    %scan3A_1 = arith.constant 0 : i32
    %mul3A_2 = arith.constant 16 : i32
    %mul3A_3 = arith.muli %scan3A_1, %mul3A_2 : i32
    %get3A = arith.index_cast %mul3A_3 : i32 to index
    %get3A_4 = tpu.vector_load %arg5[%get3A] {strides = array<i32>} : memref<512xi32, #tpu.memory_space<vmem>>, vector<16xi32>,
    %get3A_5 = vector.shape_cast %get3A_4 : vector<16xi32> to vector<16xi32>
    %slice3A = vector.extract_strided_slice %get3A_5 {offsets = [0], sizes = [1], strides = [1]} : vector<16xi32> to vector<1xi32>
    %squeeze3A = vector.extract %slice3A[0] : i32 from vector<1xi32>
    %shift_right_arithmetic3A = arith.constant 7 : i32
    %shift_right_arithmetic3A_6 = arith.shrsi %squeeze3A, %shift_right_arithmetic3A : i32
    %shift_right_arithmetic3A_7 = arith.constant 3 : i32
    %shift_right_arithmetic3A_8 = arith.shrsi %shift_right_arithmetic3A_6, %shift_right_arithmetic3A_7 : i32
    %and3A = arith.constant 7 : i32
    %and3A_9 = arith.andi %shift_right_arithmetic3A_6, %and3A : i32
    %mul3A_10 = arith.constant 16 : i32
    %mul3A_11 = arith.muli %scan3A_1, %mul3A_10 : i32
    %add3A_12 = arith.constant 0 : i32
    %add3A_13 = arith.addi %mul3A_11, %add3A_12 : i32
    %dma_start3A = arith.constant 0 : i32
    %dma_start3A_14 = tpu.memref_slice %arg6[%add3A_13, %dma_start3A] : memref<512x128xf32, #tpu.memory_space<vmem>> -> memref<1x128xf32, #tpu.memory_space<vmem>>
    %dma_start3A_15 = tpu.memref_squeeze %dma_start3A_14 : memref<1x128xf32, #tpu.memory_space<vmem>> -> memref<128xf32, #tpu.memory_space<vmem>>
    %dma_start3A_16 = arith.constant 0 : i32
    %dma_start3A_17 = tpu.memref_slice %arg2[%shift_right_arithmetic3A_8, %and3A_9, %dma_start3A_16] : memref<977x8x128xf32, #tpu.memory_space<hbm>> -> memref<1x1x128xf32, #tpu.memory_space<hbm>>
    %dma_start3A_18 = tpu.memref_squeeze %dma_start3A_17 : memref<1x1x128xf32, #tpu.memory_space<hbm>> -> memref<128xf32, #tpu.memory_space<hbm>>
    %dma_start3A_19 = arith.constant 0 : i32
    %dma_start3A_20 = tpu.memref_slice %arg6[%add3A_13, %dma_start3A_19] : memref<512x128xf32, #tpu.memory_space<vmem>> -> memref<1x128xf32, #tpu.memory_space<vmem>>
    %dma_start3A_21 = tpu.memref_squeeze %dma_start3A_20 : memref<1x128xf32, #tpu.memory_space<vmem>> -> memref<128xf32, #tpu.memory_space<vmem>>
    %dma_start3A_22 = arith.constant 0 : i32
    %dma_start3A_23 = tpu.memref_slice %arg2[%shift_right_arithmetic3A_8, %and3A_9, %dma_start3A_22] : memref<977x8x128xf32, #tpu.memory_space<hbm>> -> memref<1x1x128xf32, #tpu.memory_space<hbm>>
    %dma_start3A_24 = tpu.memref_squeeze %dma_start3A_23 : memref<1x1x128xf32, #tpu.memory_space<hbm>> -> memref<128xf32, #tpu.memory_space<hbm>>
    tpu.enqueue_dma source(%dma_start3A_24 : memref<128xf32, #tpu.memory_space<hbm>>) target(%dma_start3A_21 : memref<128xf32, #tpu.memory_space<vmem>>) target_semaphore(%arg7 : memref<!tpu.dma_semaphore, #tpu.memory_space<semaphore_mem>>)
    %slice3A_25 = vector.extract_strided_slice %get3A_5 {offsets = [1], sizes = [1], strides = [1]} : vector<16xi32> to vector<1xi32>
    %squeeze3A_26 = vector.extract %slice3A_25[0] : i32 from vector<1xi32>
    %shift_right_arithmetic3A_27 = arith.constant 7 : i32
    %shift_right_arithmetic3A_28 = arith.shrsi %squeeze3A_26, %shift_right_arithmetic3A_27 : i32
    %shift_right_arithmetic3A_29 = arith.constant 3 : i32
    %shift_right_arithmetic3A_30 = arith.shrsi %shift_right_arithmetic3A_28, %shift_right_arithmetic3A_29 : i32
    %and3A_31 = arith.constant 7 : i32
    %and3A_32 = arith.andi %shift_right_arithmetic3A_28, %and3A_31 : i32
    %mul3A_33 = arith.constant 16 : i32
    %mul3A_34 = arith.muli %scan3A_1, %mul3A_33 : i32
    %add3A_35 = arith.constant 1 : i32
    %add3A_36 = arith.addi %mul3A_34, %add3A_35 : i32
    %dma_start3A_37 = arith.constant 0 : i32
    %dma_start3A_38 = tpu.memref_slice %arg6[%add3A_36, %dma_start3A_37] : memref<512x128xf32, #tpu.memory_space<vmem>> -> memref<1x128xf32, #tpu.memory_space<vmem>>
    %dma_start3A_39 = tpu.memref_squeeze %dma_start3A_38 : memref<1x128xf32, #tpu.memory_space<vmem>> -> memref<128xf32, #tpu.memory_space<vmem>>
    %dma_start3A_40 = arith.constant 0 : i32
    %dma_start3A_41 = tpu.memref_slice %arg2[%shift_right_arithmetic3A_30, %and3A_32, %dma_start3A_40] : memref<977x8x128xf32, #tpu.memory_space<hbm>> -> memref<1x1x128xf32, #tpu.memory_space<hbm>>
    %dma_start3A_42 = tpu.memref_squeeze %dma_start3A_41 : memref<1x1x128xf32, #tpu.memory_space<hbm>> -> memref<128xf32, #tpu.memory_space<hbm>>
    %dma_start3A_43 = arith.constant 0 : i32
    %dma_start3A_44 = tpu.memref_slice %arg6[%add3A_36, %dma_start3A_43] : memref<512x128xf32, #tpu.memory_space<vmem>> -> memref<1x128xf32, #tpu.memory_space<vmem>>
    %dma_start3A_45 = tpu.memref_squeeze %dma_start3A_44 : memref<1x128xf32, #tpu.memory_space<vmem>> -> memref<128xf32, #tpu.memory_space<vmem>>
    %dma_start3A_46 = arith.constant 0 : i32
    %dma_start3A_47 = tpu.memref_slice %arg2[%shift_right_arithmetic3A_30, %and3A_32, %dma_start3A_46] : memref<977x8x128xf32, #tpu.memory_space<hbm>> -> memref<1x1x128xf32, #tpu.memory_space<hbm>>
    %dma_start3A_48 = tpu.memref_squeeze %dma_start3A_47 : memref<1x1x128xf32, #tpu.memory_space<hbm>> -> memref<128xf32, #tpu.memory_space<hbm>>
    tpu.enqueue_dma source(%dma_start3A_48 : memref<128xf32, #tpu.memory_space<hbm>>) target(%dma_start3A_45 : memref<128xf32, #tpu.memory_space<vmem>>) target_semaphore(%arg7 : memref<!tpu.dma_semaphore, #tpu.memory_space<semaphore_mem>>)
    %slice3A_49 = vector.extract_strided_slice %get3A_5 {offsets = [2], sizes = [1], strides = [1]} : vector<16xi32> to vector<1xi32>
    %squeeze3A_50 = vector.extract %slice3A_49[0] : i32 from vector<1xi32>
    %shift_right_arithmetic3A_51 = arith.constant 7 : i32
    %shift_right_arithmetic3A_52 = arith.shrsi %squeeze3A_50, %shift_right_arithmetic3A_51 : i32
    %shift_right_arithmetic3A_53 = arith.constant 3 : i32
    %shift_right_arithmetic3A_54 = arith.shrsi %shift_right_arithmetic3A_52, %shift_right_arithmetic3A_53 : i32
    %and3A_55 = arith.constant 7 : i32
    %and3A_56 = arith.andi %shift_right_arithmetic3A_52, %and3A_55 : i32
    %mul3A_57 = arith.constant 16 : i32
    %mul3A_58 = arith.muli %scan3A_1, %mul3A_57 : i32
    %add3A_59 = arith.constant 2 : i32
    %add3A_60 = arith.addi %mul3A_58, %add3A_59 : i32
    %dma_start3A_61 = arith.constant 0 : i32
    %dma_start3A_62 = tpu.memref_slice %arg6[%add3A_60, %dma_start3A_61] : memref<512x128xf32, #tpu.memory_space<vmem>> -> memref<1x128xf32, #tpu.memory_space<vmem>>
    %dma_start3A_63 = tpu.memref_squeeze %dma_start3A_62 : memref<1x128xf32, #tpu.memory_space<vmem>> -> memref<128xf32, #tpu.memory_space<vmem>>
    %dma_start3A_64 = arith.constant 0 : i32
    %dma_start3A_65 = tpu.memref_slice %arg2[%shift_right_arithmetic3A_54, %and3A_56, %dma_start3A_64] : memref<977x8x128xf32, #tpu.memory_space<hbm>> -> memref<1x1x128xf32, #tpu.memory_space<hbm>>
    %dma_start3A_66 = tpu.memref_squeeze %dma_start3A_65 : memref<1x1x128xf32, #tpu.memory_space<hbm>> -> memref<128xf32, #tpu.memory_space<hbm>>
    %dma_start3A_67 = arith.constant 0 : i32
    %dma_start3A_68 = tpu.memref_slice %arg6[%add3A_60, %dma_start3A_67] : memref<512x128xf32, #tpu.memory_space<vmem>> -> memref<1x128xf32, #tpu.memory_space<vmem>>
    %dma_start3A_69 = tpu.memref_squeeze %dma_start3A_68 : memref<1x128xf32, #tpu.memory_space<vmem>> -> memref<128xf32, #tpu.memory_space<vmem>>
    %dma_start3A_70 = arith.constant 0 : i32
    %dma_start3A_71 = tpu.memref_slice %arg2[%shift_right_arithmetic3A_54, %and3A_56, %dma_start3A_70] : memref<977x8x128xf32, #tpu.memory_space<hbm>> -> memref<1x1x128xf32, #tpu.memory_space<hbm>>
    %dma_start3A_72 = tpu.memref_squeeze %dma_start3A_71 : memref<1x1x128xf32, #tpu.memory_space<hbm>> -> memref<128xf32, #tpu.memory_space<hbm>>
    tpu.enqueue_dma source(%dma_start3A_72 : memref<128xf32, #tpu.memory_space<hbm>>) target(%dma_start3A_69 : memref<128xf32, #tpu.memory_space<vmem>>) target_semaphore(%arg7 : memref<!tpu.dma_semaphore, #tpu.memory_space<semaphore_mem>>)
    %slice3A_73 = vector.extract_strided_slice %get3A_5 {offsets = [3], sizes = [1], strides = [1]} : vector<16xi32> to vector<1xi32>
    %squeeze3A_74 = vector.extract %slice3A_73[0] : i32 from vector<1xi32>
    %shift_right_arithmetic3A_75 = arith.constant 7 : i32
    %shift_right_arithmetic3A_76 = arith.shrsi %squeeze3A_74, %shift_right_arithmetic3A_75 : i32
    %shift_right_arithmetic3A_77 = arith.constant 3 : i32
    %shift_right_arithmetic3A_78 = arith.shrsi %shift_right_arithmetic3A_76, %shift_right_arithmetic3A_77 : i32
    %and3A_79 = arith.constant 7 : i32
    %and3A_80 = arith.andi %shift_right_arithmetic3A_76, %and3A_79 : i32
    %mul3A_81 = arith.constant 16 : i32
    %mul3A_82 = arith.muli %scan3A_1, %mul3A_81 : i32
    %add3A_83 = arith.constant 3 : i32
    %add3A_84 = arith.addi %mul3A_82, %add3A_83 : i32
    %dma_start3A_85 = arith.constant 0 : i32
    %dma_start3A_86 = tpu.memref_slice %arg6[%add3A_84, %dma_start3A_85] : memref<512x128xf32, #tpu.memory_space<vmem>> -> memref<1x128xf32, #tpu.memory_space<vmem>>
    %dma_start3A_87 = tpu.memref_squeeze %dma_start3A_86 : memref<1x128xf32, #tpu.memory_space<vmem>> -> memref<128xf32, #tpu.memory_space<vmem>>
    %dma_start3A_88 = arith.constant 0 : i32
    %dma_start3A_89 = tpu.memref_slice %arg2[%shift_right_arithmetic3A_78, %and3A_80, %dma_start3A_88] : memref<977x8x128xf32, #tpu.memory_space<hbm>> -> memref<1x1x128xf32, #tpu.memory_space<hbm>>
    %dma_start3A_90 = tpu.memref_squeeze %dma_start3A_89 : memref<1x1x128xf32, #tpu.memory_space<hbm>> -> memref<128xf32, #tpu.memory_space<hbm>>
    %dma_start3A_91 = arith.constant 0 : i32
    %dma_start3A_92 = tpu.memref_slice %arg6[%add3A_84, %dma_start3A_91] : memref<512x128xf32, #tpu.memory_space<vmem>> -> memref<1x128xf32, #tpu.memory_space<vmem>>
    %dma_start3A_93 = tpu.memref_squeeze %dma_start3A_92 : memref<1x128xf32, #tpu.memory_space<vmem>> -> memref<128xf32, #tpu.memory_space<vmem>>
    %dma_start3A_94 = arith.constant 0 : i32
    %dma_start3A_95 = tpu.memref_slice %arg2[%shift_right_arithmetic3A_78, %and3A_80, %dma_start3A_94] : memref<977x8x128xf32, #tpu.memory_space<hbm>> -> memref<1x1x128xf32, #tpu.memory_space<hbm>>
    %dma_start3A_96 = tpu.memref_squeeze %dma_start3A_95 : memref<1x1x128xf32, #tpu.memory_space<hbm>> -> memref<128xf32, #tpu.memory_space<hbm>>
    tpu.enqueue_dma source(%dma_start3A_96 : memref<128xf32, #tpu.memory_space<hbm>>) target(%dma_start3A_93 : memref<128xf32, #tpu.memory_space<vmem>>) target_semaphore(%arg7 : memref<!tpu.dma_semaphore, #tpu.memory_space<semaphore_mem>>)
    %slice3A_97 = vector.extract_strided_slice %get3A_5 {offsets = [4], sizes = [1], strides = [1]} : vector<16xi32> to vector<1xi32>
    %squeeze3A_98 = vector.extract %slice3A_97[0] : i32 from vector<1xi32>
    %shift_right_arithmetic3A_99 = arith.constant 7 : i32
    %shift_right_arithmetic3A_100 = arith.shrsi %squeeze3A_98, %shift_right_arithmetic3A_99 : i32
    %shift_right_arithmetic3A_101 = arith.constant 3 : i32
    %shift_right_arithmetic3A_102 = arith.shrsi %shift_right_arithmetic3A_100, %shift_right_arithmetic3A_101 : i32
    %and3A_103 = arith.constant 7 : i32
    %and3A_104 = arith.andi %shift_right_arithmetic3A_100, %and3A_103 : i32
    %mul3A_105 = arith.constant 16 : i32
    %mul3A_106 = arith.muli %scan3A_1, %mul3A_105 : i32
    %add3A_107 = arith.constant 4 : i32
    %add3A_108 = arith.addi %mul3A_106, %add3A_107 : i32
    %dma_start3A_109 = arith.constant 0 : i32
    %dma_start3A_110 = tpu.memref_slice %arg6[%add3A_108, %dma_start3A_109] : memref<512x128xf32, #tpu.memory_space<vmem>> -> memref<1x128xf32, #tpu.memory_space<vmem>>
    %dma_start3A_111 = tpu.memref_squeeze %dma_start3A_110 : memref<1x128xf32, #tpu.memory_space<vmem>> -> memref<128xf32, #tpu.memory_space<vmem>>
    %dma_start3A_112 = arith.constant 0 : i32
    %dma_start3A_113 = tpu.memref_slice %arg2[%shift_right_arithmetic3A_102, %and3A_104, %dma_start3A_112] : memref<977x8x128xf32, #tpu.memory_space<hbm>> -> memref<1x1x128xf32, #tpu.memory_space<hbm>>
    %dma_start3A_114 = tpu.memref_squeeze %dma_start3A_113 : memref<1x1x128xf32, #tpu.memory_space<hbm>> -> memref<128xf32, #tpu.memory_space<hbm>>
    %dma_start3A_115 = arith.constant 0 : i32
    %dma_start3A_116 = tpu.memref_slice %arg6[%add3A_108, %dma_start3A_115] : memref<512x128xf32, #tpu.memory_space<vmem>> -> memref<1x128xf32, #tpu.memory_space<vmem>>
    %dma_start3A_117 = tpu.memref_squeeze %dma_start3A_116 : memref<1x128xf32, #tpu.memory_space<vmem>> -> memref<128xf32, #tpu.memory_space<vmem>>
    %dma_start3A_118 = arith.constant 0 : i32
    %dma_start3A_119 = tpu.memref_slice %arg2[%shift_right_arithmetic3A_102, %and3A_104, %dma_start3A_118] : memref<977x8x128xf32, #tpu.memory_space<hbm>> -> memref<1x1x128xf32, #tpu.memory_space<hbm>>
    %dma_start3A_120 = tpu.memref_squeeze %dma_start3A_119 : memref<1x1x128xf32, #tpu.memory_space<hbm>> -> memref<128xf32, #tpu.memory_space<hbm>>
    tpu.enqueue_dma source(%dma_start3A_120 : memref<128xf32, #tpu.memory_space<hbm>>) target(%dma_start3A_117 : memref<128xf32, #tpu.memory_space<vmem>>) target_semaphore(%arg7 : memref<!tpu.dma_semaphore, #tpu.memory_space<semaphore_mem>>)
    %slice3A_121 = vector.extract_strided_slice %get3A_5 {offsets = [5], sizes = [1], strides = [1]} : vector<16xi32> to vector<1xi32>
    %squeeze3A_122 = vector.extract %slice3A_121[0] : i32 from vector<1xi32>
    %shift_right_arithmetic3A_123 = arith.constant 7 : i32
    %shift_right_arithmetic3A_124 = arith.shrsi %squeeze3A_122, %shift_right_arithmetic3A_123 : i32
    %shift_right_arithmetic3A_125 = arith.constant 3 : i32
    %shift_right_arithmetic3A_126 = arith.shrsi %shift_right_arithmetic3A_124, %shift_right_arithmetic3A_125 : i32
    %and3A_127 = arith.constant 7 : i32
    %and3A_128 = arith.andi %shift_right_arithmetic3A_124, %and3A_127 : i32
    %mul3A_129 = arith.constant 16 : i32
    %mul3A_130 = arith.muli %scan3A_1, %mul3A_129 : i32
    %add3A_131 = arith.constant 5 : i32
    %add3A_132 = arith.addi %mul3A_130, %add3A_131 : i32
    %dma_start3A_133 = arith.constant 0 : i32
    %dma_start3A_134 = tpu.memref_slice %arg6[%add3A_132, %dma_start3A_133] : memref<512x128xf32, #tpu.memory_space<vmem>> -> memref<1x128xf32, #tpu.memory_space<vmem>>
    %dma_start3A_135 = tpu.memref_squeeze %dma_start3A_134 : memref<1x128xf32, #tpu.memory_space<vmem>> -> memref<128xf32, #tpu.memory_space<vmem>>
    %dma_start3A_136 = arith.constant 0 : i32
    %dma_start3A_137 = tpu.memref_slice %arg2[%shift_right_arithmetic3A_126, %and3A_128, %dma_start3A_136] : memref<977x8x128xf32, #tpu.memory_space<hbm>> -> memref<1x1x128xf32, #tpu.memory_space<hbm>>
    %dma_start3A_138 = tpu.memref_squeeze %dma_start3A_137 : memref<1x1x128xf32, #tpu.memory_space<hbm>> -> memref<128xf32, #tpu.memory_space<hbm>>
    %dma_start3A_139 = arith.constant 0 : i32
    %dma_start3A_140 = tpu.memref_slice %arg6[%add3A_132, %dma_start3A_139] : memref<512x128xf32, #tpu.memory_space<vmem>> -> memref<1x128xf32, #tpu.memory_space<vmem>>
    %dma_start3A_141 = tpu.memref_squeeze %dma_start3A_140 : memref<1x128xf32, #tpu.memory_space<vmem>> -> memref<128xf32, #tpu.memory_space<vmem>>
    %dma_start3A_142 = arith.constant 0 : i32
    %dma_start3A_143 = tpu.memref_slice %arg2[%shift_right_arithmetic3A_126, %and3A_128, %dma_start3A_142] : memref<977x8x128xf32, #tpu.memory_space<hbm>> -> memref<1x1x128xf32, #tpu.memory_space<hbm>>
    %dma_start3A_144 = tpu.memref_squeeze %dma_start3A_143 : memref<1x1x128xf32, #tpu.memory_space<hbm>> -> memref<128xf32, #tpu.memory_space<hbm>>
    tpu.enqueue_dma source(%dma_start3A_144 : memref<128xf32, #tpu.memory_space<hbm>>) target(%dma_start3A_141 : memref<128xf32, #tpu.memory_space<vmem>>) target_semaphore(%arg7 : memref<!tpu.dma_semaphore, #tpu.memory_space<semaphore_mem>>)
    %slice3A_145 = vector.extract_strided_slice %get3A_5 {offsets = [6], sizes = [1], strides = [1]} : vector<16xi32> to vector<1xi32>
    %squeeze3A_146 = vector.extract %slice3A_145[0] : i32 from vector<1xi32>
    %shift_right_arithmetic3A_147 = arith.constant 7 : i32
    %shift_right_arithmetic3A_148 = arith.shrsi %squeeze3A_146, %shift_right_arithmetic3A_147 : i32
    %shift_right_arithmetic3A_149 = arith.constant 3 : i32
    %shift_right_arithmetic3A_150 = arith.shrsi %shift_right_arithmetic3A_148, %shift_right_arithmetic3A_149 : i32
    %and3A_151 = arith.constant 7 : i32
    %and3A_152 = arith.andi %shift_right_arithmetic3A_148, %and3A_151 : i32
    %mul3A_153 = arith.constant 16 : i32
    %mul3A_154 = arith.muli %scan3A_1, %mul3A_153 : i32
    %add3A_155 = arith.constant 6 : i32
    %add3A_156 = arith.addi %mul3A_154, %add3A_155 : i32
    %dma_start3A_157 = arith.constant 0 : i32
    %dma_start3A_158 = tpu.memref_slice %arg6[%add3A_156, %dma_start3A_157] : memref<512x128xf32, #tpu.memory_space<vmem>> -> memref<1x128xf32, #tpu.memory_space<vmem>>
    %dma_start3A_159 = tpu.memref_squeeze %dma_start3A_158 : memref<1x128xf32, #tpu.memory_space<vmem>> -> memref<128xf32, #tpu.memory_space<vmem>>
    %dma_start3A_160 = arith.constant 0 : i32
    %dma_start3A_161 = tpu.memref_slice %arg2[%shift_right_arithmetic3A_150, %and3A_152, %dma_start3A_160] : memref<977x8x128xf32, #tpu.memory_space<hbm>> -> memref<1x1x128xf32, #tpu.memory_space<hbm>>
    %dma_start3A_162 = tpu.memref_squeeze %dma_start3A_161 : memref<1x1x128xf32, #tpu.memory_space<hbm>> -> memref<128xf32, #tpu.memory_space<hbm>>
    %dma_start3A_163 = arith.constant 0 : i32
    %dma_start3A_164 = tpu.memref_slice %arg6[%add3A_156, %dma_start3A_163] : memref<512x128xf32, #tpu.memory_space<vmem>> -> memref<1x128xf32, #tpu.memory_space<vmem>>
    %dma_start3A_165 = tpu.memref_squeeze %dma_start3A_164 : memref<1x128xf32, #tpu.memory_space<vmem>> -> memref<128xf32, #tpu.memory_space<vmem>>
    %dma_start3A_166 = arith.constant 0 : i32
    %dma_start3A_167 = tpu.memref_slice %arg2[%shift_right_arithmetic3A_150, %and3A_152, %dma_start3A_166] : memref<977x8x128xf32, #tpu.memory_space<hbm>> -> memref<1x1x128xf32, #tpu.memory_space<hbm>>
    %dma_start3A_168 = tpu.memref_squeeze %dma_start3A_167 : memref<1x1x128xf32, #tpu.memory_space<hbm>> -> memref<128xf32, #tpu.memory_space<hbm>>
    tpu.enqueue_dma source(%dma_start3A_168 : memref<128xf32, #tpu.memory_space<hbm>>) target(%dma_start3A_165 : memref<128xf32, #tpu.memory_space<vmem>>) target_semaphore(%arg7 : memref<!tpu.dma_semaphore, #tpu.memory_space<semaphore_mem>>)
    %slice3A_169 = vector.extract_strided_slice %get3A_5 {offsets = [7], sizes = [1], strides = [1]} : vector<16xi32> to vector<1xi32>
    %squeeze3A_170 = vector.extract %slice3A_169[0] : i32 from vector<1xi32>
    %shift_right_arithmetic3A_171 = arith.constant 7 : i32
    %shift_right_arithmetic3A_172 = arith.shrsi %squeeze3A_170, %shift_right_arithmetic3A_171 : i32
    %shift_right_arithmetic3A_173 = arith.constant 3 : i32
    %shift_right_arithmetic3A_174 = arith.shrsi %shift_right_arithmetic3A_172, %shift_right_arithmetic3A_173 : i32
    %and3A_175 = arith.constant 7 : i32
    %and3A_176 = arith.andi %shift_right_arithmetic3A_172, %and3A_175 : i32
    %mul3A_177 = arith.constant 16 : i32
    %mul3A_178 = arith.muli %scan3A_1, %mul3A_177 : i32
    %add3A_179 = arith.constant 7 : i32
    %add3A_180 = arith.addi %mul3A_178, %add3A_179 : i32
    %dma_start3A_181 = arith.constant 0 : i32
    %dma_start3A_182 = tpu.memref_slice %arg6[%add3A_180, %dma_start3A_181] : memref<512x128xf32, #tpu.memory_space<vmem>> -> memref<1x128xf32, #tpu.memory_space<vmem>>
    %dma_start3A_183 = tpu.memref_squeeze %dma_start3A_182 : memref<1x128xf32, #tpu.memory_space<vmem>> -> memref<128xf32, #tpu.memory_space<vmem>>
    %dma_start3A_184 = arith.constant 0 : i32
    %dma_start3A_185 = tpu.memref_slice %arg2[%shift_right_arithmetic3A_174, %and3A_176, %dma_start3A_184] : memref<977x8x128xf32, #tpu.memory_space<hbm>> -> memref<1x1x128xf32, #tpu.memory_space<hbm>>
    %dma_start3A_186 = tpu.memref_squeeze %dma_start3A_185 : memref<1x1x128xf32, #tpu.memory_space<hbm>> -> memref<128xf32, #tpu.memory_space<hbm>>
    %dma_start3A_187 = arith.constant 0 : i32
    %dma_start3A_188 = tpu.memref_slice %arg6[%add3A_180, %dma_start3A_187] : memref<512x128xf32, #tpu.memory_space<vmem>> -> memref<1x128xf32, #tpu.memory_space<vmem>>
    %dma_start3A_189 = tpu.memref_squeeze %dma_start3A_188 : memref<1x128xf32, #tpu.memory_space<vmem>> -> memref<128xf32, #tpu.memory_space<vmem>>
    %dma_start3A_190 = arith.constant 0 : i32
    %dma_start3A_191 = tpu.memref_slice %arg2[%shift_right_arithmetic3A_174, %and3A_176, %dma_start3A_190] : memref<977x8x128xf32, #tpu.memory_space<hbm>> -> memref<1x1x128xf32, #tpu.memory_space<hbm>>
    %dma_start3A_192 = tpu.memref_squeeze %dma_start3A_191 : memref<1x1x128xf32, #tpu.memory_space<hbm>> -> memref<128xf32, #tpu.memory_space<hbm>>
    tpu.enqueue_dma source(%dma_start3A_192 : memref<128xf32, #tpu.memory_space<hbm>>) target(%dma_start3A_189 : memref<128xf32, #tpu.memory_space<vmem>>) target_semaphore(%arg7 : memref<!tpu.dma_semaphore, #tpu.memory_space<semaphore_mem>>)
    %slice3A_193 = vector.extract_strided_slice %get3A_5 {offsets = [8], sizes = [1], strides = [1]} : vector<16xi32> to vector<1xi32>
    %squeeze3A_194 = vector.extract %slice3A_193[0] : i32 from vector<1xi32>
    %shift_right_arithmetic3A_195 = arith.constant 7 : i32
    %shift_right_arithmetic3A_196 = arith.shrsi %squeeze3A_194, %shift_right_arithmetic3A_195 : i32
    %shift_right_arithmetic3A_197 = arith.constant 3 : i32
    %shift_right_arithmetic3A_198 = arith.shrsi %shift_right_arithmetic3A_196, %shift_right_arithmetic3A_197 : i32
    %and3A_199 = arith.constant 7 : i32
    %and3A_200 = arith.andi %shift_right_arithmetic3A_196, %and3A_199 : i32
    %mul3A_201 = arith.constant 16 : i32
    %mul3A_202 = arith.muli %scan3A_1, %mul3A_201 : i32
    %add3A_203 = arith.constant 8 : i32
    %add3A_204 = arith.addi %mul3A_202, %add3A_203 : i32
    %dma_start3A_205 = arith.constant 0 : i32
    %dma_start3A_206 = tpu.memref_slice %arg6[%add3A_204, %dma_start3A_205] : memref<512x128xf32, #tpu.memory_space<vmem>> -> memref<1x128xf32, #tpu.memory_space<vmem>>
    %dma_start3A_207 = tpu.memref_squeeze %dma_start3A_206 : memref<1x128xf32, #tpu.memory_space<vmem>> -> memref<128xf32, #tpu.memory_space<vmem>>
    %dma_start3A_208 = arith.constant 0 : i32
    %dma_start3A_209 = tpu.memref_slice %arg2[%shift_right_arithmetic3A_198, %and3A_200, %dma_start3A_208] : memref<977x8x128xf32, #tpu.memory_space<hbm>> -> memref<1x1x128xf32, #tpu.memory_space<hbm>>
    %dma_start3A_210 = tpu.memref_squeeze %dma_start3A_209 : memref<1x1x128xf32, #tpu.memory_space<hbm>> -> memref<128xf32, #tpu.memory_space<hbm>>
    %dma_start3A_211 = arith.constant 0 : i32
    %dma_start3A_212 = tpu.memref_slice %arg6[%add3A_204, %dma_start3A_211] : memref<512x128xf32, #tpu.memory_space<vmem>> -> memref<1x128xf32, #tpu.memory_space<vmem>>
    %dma_start3A_213 = tpu.memref_squeeze %dma_start3A_212 : memref<1x128xf32, #tpu.memory_space<vmem>> -> memref<128xf32, #tpu.memory_space<vmem>>
    %dma_start3A_214 = arith.constant 0 : i32
    %dma_start3A_215 = tpu.memref_slice %arg2[%shift_right_arithmetic3A_198, %and3A_200, %dma_start3A_214] : memref<977x8x128xf32, #tpu.memory_space<hbm>> -> memref<1x1x128xf32, #tpu.memory_space<hbm>>
    %dma_start3A_216 = tpu.memref_squeeze %dma_start3A_215 : memref<1x1x128xf32, #tpu.memory_space<hbm>> -> memref<128xf32, #tpu.memory_space<hbm>>
    tpu.enqueue_dma source(%dma_start3A_216 : memref<128xf32, #tpu.memory_space<hbm>>) target(%dma_start3A_213 : memref<128xf32, #tpu.memory_space<vmem>>) target_semaphore(%arg7 : memref<!tpu.dma_semaphore, #tpu.memory_space<semaphore_mem>>)
    %slice3A_217 = vector.extract_strided_slice %get3A_5 {offsets = [9], sizes = [1], strides = [1]} : vector<16xi32> to vector<1xi32>
    %squeeze3A_218 = vector.extract %slice3A_217[0] : i32 from vector<1xi32>
    %shift_right_arithmetic3A_219 = arith.constant 7 : i32
    %shift_right_arithmetic3A_220 = arith.shrsi %squeeze3A_218, %shift_right_arithmetic3A_219 : i32
    %shift_right_arithmetic3A_221 = arith.constant 3 : i32
    %shift_right_arithmetic3A_222 = arith.shrsi %shift_right_arithmetic3A_220, %shift_right_arithmetic3A_221 : i32
    %and3A_223 = arith.constant 7 : i32
    %and3A_224 = arith.andi %shift_right_arithmetic3A_220, %and3A_223 : i32
    %mul3A_225 = arith.constant 16 : i32
    %mul3A_226 = arith.muli %scan3A_1, %mul3A_225 : i32
    %add3A_227 = arith.constant 9 : i32
    %add3A_228 = arith.addi %mul3A_226, %add3A_227 : i32
    %dma_start3A_229 = arith.constant 0 : i32
    %dma_start3A_230 = tpu.memref_slice %arg6[%add3A_228, %dma_start3A_229] : memref<512x128xf32, #tpu.memory_space<vmem>> -> memref<1x128xf32, #tpu.memory_space<vmem>>
    %dma_start3A_231 = tpu.memref_squeeze %dma_start3A_230 : memref<1x128xf32, #tpu.memory_space<vmem>> -> memref<128xf32, #tpu.memory_space<vmem>>
    %dma_start3A_232 = arith.constant 0 : i32
    %dma_start3A_233 = tpu.memref_slice %arg2[%shift_right_arithmetic3A_222, %and3A_224, %dma_start3A_232] : memref<977x8x128xf32, #tpu.memory_space<hbm>> -> memref<1x1x128xf32, #tpu.memory_space<hbm>>
    %dma_start3A_234 = tpu.memref_squeeze %dma_start3A_233 : memref<1x1x128xf32, #tpu.memory_space<hbm>> -> memref<128xf32, #tpu.memory_space<hbm>>
    %dma_start3A_235 = arith.constant 0 : i32
    %dma_start3A_236 = tpu.memref_slice %arg6[%add3A_228, %dma_start3A_235] : memref<512x128xf32, #tpu.memory_space<vmem>> -> memref<1x128xf32, #tpu.memory_space<vmem>>
    %dma_start3A_237 = tpu.memref_squeeze %dma_start3A_236 : memref<1x128xf32, #tpu.memory_space<vmem>> -> memref<128xf32, #tpu.memory_space<vmem>>
    %dma_start3A_238 = arith.constant 0 : i32
    %dma_start3A_239 = tpu.memref_slice %arg2[%shift_right_arithmetic3A_222, %and3A_224, %dma_start3A_238] : memref<977x8x128xf32, #tpu.memory_space<hbm>> -> memref<1x1x128xf32, #tpu.memory_space<hbm>>
    %dma_start3A_240 = tpu.memref_squeeze %dma_start3A_239 : memref<1x1x128xf32, #tpu.memory_space<hbm>> -> memref<128xf32, #tpu.memory_space<hbm>>
    tpu.enqueue_dma source(%dma_start3A_240 : memref<128xf32, #tpu.memory_space<hbm>>) target(%dma_start3A_237 : memref<128xf32, #tpu.memory_space<vmem>>) target_semaphore(%arg7 : memref<!tpu.dma_semaphore, #tpu.memory_space<semaphore_mem>>)
    %slice3A_241 = vector.extract_strided_slice %get3A_5 {offsets = [10], sizes = [1], strides = [1]} : vector<16xi32> to vector<1xi32>
    %squeeze3A_242 = vector.extract %slice3A_241[0] : i32 from vector<1xi32>
    %shift_right_arithmetic3A_243 = arith.constant 7 : i32
    %shift_right_arithmetic3A_244 = arith.shrsi %squeeze3A_242, %shift_right_arithmetic3A_243 : i32
    %shift_right_arithmetic3A_245 = arith.constant 3 : i32
    %shift_right_arithmetic3A_246 = arith.shrsi %shift_right_arithmetic3A_244, %shift_right_arithmetic3A_245 : i32
    %and3A_247 = arith.constant 7 : i32
    %and3A_248 = arith.andi %shift_right_arithmetic3A_244, %and3A_247 : i32
    %mul3A_249 = arith.constant 16 : i32
    %mul3A_250 = arith.muli %scan3A_1, %mul3A_249 : i32
    %add3A_251 = arith.constant 10 : i32
    %add3A_252 = arith.addi %mul3A_250, %add3A_251 : i32
    %dma_start3A_253 = arith.constant 0 : i32
    %dma_start3A_254 = tpu.memref_slice %arg6[%add3A_252, %dma_start3A_253] : memref<512x128xf32, #tpu.memory_space<vmem>> -> memref<1x128xf32, #tpu.memory_space<vmem>>
    %dma_start3A_255 = tpu.memref_squeeze %dma_start3A_254 : memref<1x128xf32, #tpu.memory_space<vmem>> -> memref<128xf32, #tpu.memory_space<vmem>>
    %dma_start3A_256 = arith.constant 0 : i32
    %dma_start3A_257 = tpu.memref_slice %arg2[%shift_right_arithmetic3A_246, %and3A_248, %dma_start3A_256] : memref<977x8x128xf32, #tpu.memory_space<hbm>> -> memref<1x1x128xf32, #tpu.memory_space<hbm>>
    %dma_start3A_258 = tpu.memref_squeeze %dma_start3A_257 : memref<1x1x128xf32, #tpu.memory_space<hbm>> -> memref<128xf32, #tpu.memory_space<hbm>>
    %dma_start3A_259 = arith.constant 0 : i32
    %dma_start3A_260 = tpu.memref_slice %arg6[%add3A_252, %dma_start3A_259] : memref<512x128xf32, #tpu.memory_space<vmem>> -> memref<1x128xf32, #tpu.memory_space<vmem>>
    %dma_start3A_261 = tpu.memref_squeeze %dma_start3A_260 : memref<1x128xf32, #tpu.memory_space<vmem>> -> memref<128xf32, #tpu.memory_space<vmem>>
    %dma_start3A_262 = arith.constant 0 : i32
    %dma_start3A_263 = tpu.memref_slice %arg2[%shift_right_arithmetic3A_246, %and3A_248, %dma_start3A_262] : memref<977x8x128xf32, #tpu.memory_space<hbm>> -> memref<1x1x128xf32, #tpu.memory_space<hbm>>
    %dma_start3A_264 = tpu.memref_squeeze %dma_start3A_263 : memref<1x1x128xf32, #tpu.memory_space<hbm>> -> memref<128xf32, #tpu.memory_space<hbm>>
    tpu.enqueue_dma source(%dma_start3A_264 : memref<128xf32, #tpu.memory_space<hbm>>) target(%dma_start3A_261 : memref<128xf32, #tpu.memory_space<vmem>>) target_semaphore(%arg7 : memref<!tpu.dma_semaphore, #tpu.memory_space<semaphore_mem>>)
    %slice3A_265 = vector.extract_strided_slice %get3A_5 {offsets = [11], sizes = [1], strides = [1]} : vector<16xi32> to vector<1xi32>
    %squeeze3A_266 = vector.extract %slice3A_265[0] : i32 from vector<1xi32>
    %shift_right_arithmetic3A_267 = arith.constant 7 : i32
    %shift_right_arithmetic3A_268 = arith.shrsi %squeeze3A_266, %shift_right_arithmetic3A_267 : i32
    %shift_right_arithmetic3A_269 = arith.constant 3 : i32
    %shift_right_arithmetic3A_270 = arith.shrsi %shift_right_arithmetic3A_268, %shift_right_arithmetic3A_269 : i32
    %and3A_271 = arith.constant 7 : i32
    %and3A_272 = arith.andi %shift_right_arithmetic3A_268, %and3A_271 : i32
    %mul3A_273 = arith.constant 16 : i32
    %mul3A_274 = arith.muli %scan3A_1, %mul3A_273 : i32
    %add3A_275 = arith.constant 11 : i32
    %add3A_276 = arith.addi %mul3A_274, %add3A_275 : i32
    %dma_start3A_277 = arith.constant 0 : i32
    %dma_start3A_278 = tpu.memref_slice %arg6[%add3A_276, %dma_start3A_277] : memref<512x128xf32, #tpu.memory_space<vmem>> -> memref<1x128xf32, #tpu.memory_space<vmem>>
    %dma_start3A_279 = tpu.memref_squeeze %dma_start3A_278 : memref<1x128xf32, #tpu.memory_space<vmem>> -> memref<128xf32, #tpu.memory_space<vmem>>
    %dma_start3A_280 = arith.constant 0 : i32
    %dma_start3A_281 = tpu.memref_slice %arg2[%shift_right_arithmetic3A_270, %and3A_272, %dma_start3A_280] : memref<977x8x128xf32, #tpu.memory_space<hbm>> -> memref<1x1x128xf32, #tpu.memory_space<hbm>>
    %dma_start3A_282 = tpu.memref_squeeze %dma_start3A_281 : memref<1x1x128xf32, #tpu.memory_space<hbm>> -> memref<128xf32, #tpu.memory_space<hbm>>
    %dma_start3A_283 = arith.constant 0 : i32
    %dma_start3A_284 = tpu.memref_slice %arg6[%add3A_276, %dma_start3A_283] : memref<512x128xf32, #tpu.memory_space<vmem>> -> memref<1x128xf32, #tpu.memory_space<vmem>>
    %dma_start3A_285 = tpu.memref_squeeze %dma_start3A_284 : memref<1x128xf32, #tpu.memory_space<vmem>> -> memref<128xf32, #tpu.memory_space<vmem>>
    %dma_start3A_286 = arith.constant 0 : i32
    %dma_start3A_287 = tpu.memref_slice %arg2[%shift_right_arithmetic3A_270, %and3A_272, %dma_start3A_286] : memref<977x8x128xf32, #tpu.memory_space<hbm>> -> memref<1x1x128xf32, #tpu.memory_space<hbm>>
    %dma_start3A_288 = tpu.memref_squeeze %dma_start3A_287 : memref<1x1x128xf32, #tpu.memory_space<hbm>> -> memref<128xf32, #tpu.memory_space<hbm>>
    tpu.enqueue_dma source(%dma_start3A_288 : memref<128xf32, #tpu.memory_space<hbm>>) target(%dma_start3A_285 : memref<128xf32, #tpu.memory_space<vmem>>) target_semaphore(%arg7 : memref<!tpu.dma_semaphore, #tpu.memory_space<semaphore_mem>>)
    %slice3A_289 = vector.extract_strided_slice %get3A_5 {offsets = [12], sizes = [1], strides = [1]} : vector<16xi32> to vector<1xi32>
    %squeeze3A_290 = vector.extract %slice3A_289[0] : i32 from vector<1xi32>
    %shift_right_arithmetic3A_291 = arith.constant 7 : i32
    %shift_right_arithmetic3A_292 = arith.shrsi %squeeze3A_290, %shift_right_arithmetic3A_291 : i32
    %shift_right_arithmetic3A_293 = arith.constant 3 : i32
    %shift_right_arithmetic3A_294 = arith.shrsi %shift_right_arithmetic3A_292, %shift_right_arithmetic3A_293 : i32
    %and3A_295 = arith.constant 7 : i32
    %and3A_296 = arith.andi %shift_right_arithmetic3A_292, %and3A_295 : i32
    %mul3A_297 = arith.constant 16 : i32
    %mul3A_298 = arith.muli %scan3A_1, %mul3A_297 : i32
    %add3A_299 = arith.constant 12 : i32
    %add3A_300 = arith.addi %mul3A_298, %add3A_299 : i32
    %dma_start3A_301 = arith.constant 0 : i32
    %dma_start3A_302 = tpu.memref_slice %arg6[%add3A_300, %dma_start3A_301] : memref<512x128xf32, #tpu.memory_space<vmem>> -> memref<1x128xf32, #tpu.memory_space<vmem>>
    %dma_start3A_303 = tpu.memref_squeeze %dma_start3A_302 : memref<1x128xf32, #tpu.memory_space<vmem>> -> memref<128xf32, #tpu.memory_space<vmem>>
    %dma_start3A_304 = arith.constant 0 : i32
    %dma_start3A_305 = tpu.memref_slice %arg2[%shift_right_arithmetic3A_294, %and3A_296, %dma_start3A_304] : memref<977x8x128xf32, #tpu.memory_space<hbm>> -> memref<1x1x128xf32, #tpu.memory_space<hbm>>
    %dma_start3A_306 = tpu.memref_squeeze %dma_start3A_305 : memref<1x1x128xf32, #tpu.memory_space<hbm>> -> memref<128xf32, #tpu.memory_space<hbm>>
    %dma_start3A_307 = arith.constant 0 : i32
    %dma_start3A_308 = tpu.memref_slice %arg6[%add3A_300, %dma_start3A_307] : memref<512x128xf32, #tpu.memory_space<vmem>> -> memref<1x128xf32, #tpu.memory_space<vmem>>
    %dma_start3A_309 = tpu.memref_squeeze %dma_start3A_308 : memref<1x128xf32, #tpu.memory_space<vmem>> -> memref<128xf32, #tpu.memory_space<vmem>>
    %dma_start3A_310 = arith.constant 0 : i32
    %dma_start3A_311 = tpu.memref_slice %arg2[%shift_right_arithmetic3A_294, %and3A_296, %dma_start3A_310] : memref<977x8x128xf32, #tpu.memory_space<hbm>> -> memref<1x1x128xf32, #tpu.memory_space<hbm>>
    %dma_start3A_312 = tpu.memref_squeeze %dma_start3A_311 : memref<1x1x128xf32, #tpu.memory_space<hbm>> -> memref<128xf32, #tpu.memory_space<hbm>>
    tpu.enqueue_dma source(%dma_start3A_312 : memref<128xf32, #tpu.memory_space<hbm>>) target(%dma_start3A_309 : memref<128xf32, #tpu.memory_space<vmem>>) target_semaphore(%arg7 : memref<!tpu.dma_semaphore, #tpu.memory_space<semaphore_mem>>)
    %slice3A_313 = vector.extract_strided_slice %get3A_5 {offsets = [13], sizes = [1], strides = [1]} : vector<16xi32> to vector<1xi32>
    %squeeze3A_314 = vector.extract %slice3A_313[0] : i32 from vector<1xi32>
    %shift_right_arithmetic3A_315 = arith.constant 7 : i32
    %shift_right_arithmetic3A_316 = arith.shrsi %squeeze3A_314, %shift_right_arithmetic3A_315 : i32
    %shift_right_arithmetic3A_317 = arith.constant 3 : i32
    %shift_right_arithmetic3A_318 = arith.shrsi %shift_right_arithmetic3A_316, %shift_right_arithmetic3A_317 : i32
    %and3A_319 = arith.constant 7 : i32
    %and3A_320 = arith.andi %shift_right_arithmetic3A_316, %and3A_319 : i32
    %mul3A_321 = arith.constant 16 : i32
    %mul3A_322 = arith.muli %scan3A_1, %mul3A_321 : i32
    %add3A_323 = arith.constant 13 : i32
    %add3A_324 = arith.addi %mul3A_322, %add3A_323 : i32
    %dma_start3A_325 = arith.constant 0 : i32
    %dma_start3A_326 = tpu.memref_slice %arg6[%add3A_324, %dma_start3A_325] : memref<512x128xf32, #tpu.memory_space<vmem>> -> memref<1x128xf32, #tpu.memory_space<vmem>>
    %dma_start3A_327 = tpu.memref_squeeze %dma_start3A_326 : memref<1x128xf32, #tpu.memory_space<vmem>> -> memref<128xf32, #tpu.memory_space<vmem>>
    %dma_start3A_328 = arith.constant 0 : i32
    %dma_start3A_329 = tpu.memref_slice %arg2[%shift_right_arithmetic3A_318, %and3A_320, %dma_start3A_328] : memref<977x8x128xf32, #tpu.memory_space<hbm>> -> memref<1x1x128xf32, #tpu.memory_space<hbm>>
    %dma_start3A_330 = tpu.memref_squeeze %dma_start3A_329 : memref<1x1x128xf32, #tpu.memory_space<hbm>> -> memref<128xf32, #tpu.memory_space<hbm>>
    %dma_start3A_331 = arith.constant 0 : i32
    %dma_start3A_332 = tpu.memref_slice %arg6[%add3A_324, %dma_start3A_331] : memref<512x128xf32, #tpu.memory_space<vmem>> -> memref<1x128xf32, #tpu.memory_space<vmem>>
    %dma_start3A_333 = tpu.memref_squeeze %dma_start3A_332 : memref<1x128xf32, #tpu.memory_space<vmem>> -> memref<128xf32, #tpu.memory_space<vmem>>
    %dma_start3A_334 = arith.constant 0 : i32
    %dma_start3A_335 = tpu.memref_slice %arg2[%shift_right_arithmetic3A_318, %and3A_320, %dma_start3A_334] : memref<977x8x128xf32, #tpu.memory_space<hbm>> -> memref<1x1x128xf32, #tpu.memory_space<hbm>>
    %dma_start3A_336 = tpu.memref_squeeze %dma_start3A_335 : memref<1x1x128xf32, #tpu.memory_space<hbm>> -> memref<128xf32, #tpu.memory_space<hbm>>
    tpu.enqueue_dma source(%dma_start3A_336 : memref<128xf32, #tpu.memory_space<hbm>>) target(%dma_start3A_333 : memref<128xf32, #tpu.memory_space<vmem>>) target_semaphore(%arg7 : memref<!tpu.dma_semaphore, #tpu.memory_space<semaphore_mem>>)
    %slice3A_337 = vector.extract_strided_slice %get3A_5 {offsets = [14], sizes = [1], strides = [1]} : vector<16xi32> to vector<1xi32>
    %squeeze3A_338 = vector.extract %slice3A_337[0] : i32 from vector<1xi32>
    %shift_right_arithmetic3A_339 = arith.constant 7 : i32
    %shift_right_arithmetic3A_340 = arith.shrsi %squeeze3A_338, %shift_right_arithmetic3A_339 : i32
    %shift_right_arithmetic3A_341 = arith.constant 3 : i32
    %shift_right_arithmetic3A_342 = arith.shrsi %shift_right_arithmetic3A_340, %shift_right_arithmetic3A_341 : i32
    %and3A_343 = arith.constant 7 : i32
    %and3A_344 = arith.andi %shift_right_arithmetic3A_340, %and3A_343 : i32
    %mul3A_345 = arith.constant 16 : i32
    %mul3A_346 = arith.muli %scan3A_1, %mul3A_345 : i32
    %add3A_347 = arith.constant 14 : i32
    %add3A_348 = arith.addi %mul3A_346, %add3A_347 : i32
    %dma_start3A_349 = arith.constant 0 : i32
    %dma_start3A_350 = tpu.memref_slice %arg6[%add3A_348, %dma_start3A_349] : memref<512x128xf32, #tpu.memory_space<vmem>> -> memref<1x128xf32, #tpu.memory_space<vmem>>
    %dma_start3A_351 = tpu.memref_squeeze %dma_start3A_350 : memref<1x128xf32, #tpu.memory_space<vmem>> -> memref<128xf32, #tpu.memory_space<vmem>>
    %dma_start3A_352 = arith.constant 0 : i32
    %dma_start3A_353 = tpu.memref_slice %arg2[%shift_right_arithmetic3A_342, %and3A_344, %dma_start3A_352] : memref<977x8x128xf32, #tpu.memory_space<hbm>> -> memref<1x1x128xf32, #tpu.memory_space<hbm>>
    %dma_start3A_354 = tpu.memref_squeeze %dma_start3A_353 : memref<1x1x128xf32, #tpu.memory_space<hbm>> -> memref<128xf32, #tpu.memory_space<hbm>>
    %dma_start3A_355 = arith.constant 0 : i32
    %dma_start3A_356 = tpu.memref_slice %arg6[%add3A_348, %dma_start3A_355] : memref<512x128xf32, #tpu.memory_space<vmem>> -> memref<1x128xf32, #tpu.memory_space<vmem>>
    %dma_start3A_357 = tpu.memref_squeeze %dma_start3A_356 : memref<1x128xf32, #tpu.memory_space<vmem>> -> memref<128xf32, #tpu.memory_space<vmem>>
    %dma_start3A_358 = arith.constant 0 : i32
    %dma_start3A_359 = tpu.memref_slice %arg2[%shift_right_arithmetic3A_342, %and3A_344, %dma_start3A_358] : memref<977x8x128xf32, #tpu.memory_space<hbm>> -> memref<1x1x128xf32, #tpu.memory_space<hbm>>
    %dma_start3A_360 = tpu.memref_squeeze %dma_start3A_359 : memref<1x1x128xf32, #tpu.memory_space<hbm>> -> memref<128xf32, #tpu.memory_space<hbm>>
    tpu.enqueue_dma source(%dma_start3A_360 : memref<128xf32, #tpu.memory_space<hbm>>) target(%dma_start3A_357 : memref<128xf32, #tpu.memory_space<vmem>>) target_semaphore(%arg7 : memref<!tpu.dma_semaphore, #tpu.memory_space<semaphore_mem>>)
    %slice3A_361 = vector.extract_strided_slice %get3A_5 {offsets = [15], sizes = [1], strides = [1]} : vector<16xi32> to vector<1xi32>
    %squeeze3A_362 = vector.extract %slice3A_361[0] : i32 from vector<1xi32>
    %shift_right_arithmetic3A_363 = arith.constant 7 : i32
    %shift_right_arithmetic3A_364 = arith.shrsi %squeeze3A_362, %shift_right_arithmetic3A_363 : i32
    %shift_right_arithmetic3A_365 = arith.constant 3 : i32
    %shift_right_arithmetic3A_366 = arith.shrsi %shift_right_arithmetic3A_364, %shift_right_arithmetic3A_365 : i32
    %and3A_367 = arith.constant 7 : i32
    %and3A_368 = arith.andi %shift_right_arithmetic3A_364, %and3A_367 : i32
    %mul3A_369 = arith.constant 16 : i32
    %mul3A_370 = arith.muli %scan3A_1, %mul3A_369 : i32
    %add3A_371 = arith.constant 15 : i32
    %add3A_372 = arith.addi %mul3A_370, %add3A_371 : i32
    %dma_start3A_373 = arith.constant 0 : i32
    %dma_start3A_374 = tpu.memref_slice %arg6[%add3A_372, %dma_start3A_373] : memref<512x128xf32, #tpu.memory_space<vmem>> -> memref<1x128xf32, #tpu.memory_space<vmem>>
    %dma_start3A_375 = tpu.memref_squeeze %dma_start3A_374 : memref<1x128xf32, #tpu.memory_space<vmem>> -> memref<128xf32, #tpu.memory_space<vmem>>
    %dma_start3A_376 = arith.constant 0 : i32
    %dma_start3A_377 = tpu.memref_slice %arg2[%shift_right_arithmetic3A_366, %and3A_368, %dma_start3A_376] : memref<977x8x128xf32, #tpu.memory_space<hbm>> -> memref<1x1x128xf32, #tpu.memory_space<hbm>>
    %dma_start3A_378 = tpu.memref_squeeze %dma_start3A_377 : memref<1x1x128xf32, #tpu.memory_space<hbm>> -> memref<128xf32, #tpu.memory_space<hbm>>
    %dma_start3A_379 = arith.constant 0 : i32
    %dma_start3A_380 = tpu.memref_slice %arg6[%add3A_372, %dma_start3A_379] : memref<512x128xf32, #tpu.memory_space<vmem>> -> memref<1x128xf32, #tpu.memory_space<vmem>>
    %dma_start3A_381 = tpu.memref_squeeze %dma_start3A_380 : memref<1x128xf32, #tpu.memory_space<vmem>> -> memref<128xf32, #tpu.memory_space<vmem>>
    %dma_start3A_382 = arith.constant 0 : i32
    %dma_start3A_383 = tpu.memref_slice %arg2[%shift_right_arithmetic3A_366, %and3A_368, %dma_start3A_382] : memref<977x8x128xf32, #tpu.memory_space<hbm>> -> memref<1x1x128xf32, #tpu.memory_space<hbm>>
    %dma_start3A_384 = tpu.memref_squeeze %dma_start3A_383 : memref<1x1x128xf32, #tpu.memory_space<hbm>> -> memref<128xf32, #tpu.memory_space<hbm>>
    tpu.enqueue_dma source(%dma_start3A_384 : memref<128xf32, #tpu.memory_space<hbm>>) target(%dma_start3A_381 : memref<128xf32, #tpu.memory_space<vmem>>) target_semaphore(%arg7 : memref<!tpu.dma_semaphore, #tpu.memory_space<semaphore_mem>>)
    %scan3A_385 = arith.constant 0 : i32
    %scan3A_386 = arith.constant 1 : i32
    %scan3A_387 = arith.constant 0 : i32
    %scan3A_388 = arith.constant 1 : i32
    %scan3A_389 = arith.constant 31 : i32
    %scan3A_390 = arith.addi %scan3A_388, %scan3A_389 : i32
    %scan3A_391 = arith.constant 1 : i32
    %scan3A_392 = scf.for %scan3A_407 = %scan3A_388 to %scan3A_390 step %scan3A_391 iter_args(%scan3A_408 = %scan3A_387) -> (i32)  : i32 {
      %mul3A_409 = arith.constant 16 : i32
      %mul3A_410 = arith.muli %scan3A_407, %mul3A_409 : i32
      %get3A_411 = arith.index_cast %mul3A_410 : i32 to index
      %get3A_412 = tpu.vector_load %arg5[%get3A_411] {strides = array<i32>} : memref<512xi32, #tpu.memory_space<vmem>>, vector<16xi32>,
      %get3A_413 = vector.shape_cast %get3A_412 : vector<16xi32> to vector<16xi32>
      %slice3A_414 = vector.extract_strided_slice %get3A_413 {offsets = [0], sizes = [1], strides = [1]} : vector<16xi32> to vector<1xi32>
      %squeeze3A_415 = vector.extract %slice3A_414[0] : i32 from vector<1xi32>
      %shift_right_arithmetic3A_416 = arith.constant 7 : i32
      %shift_right_arithmetic3A_417 = arith.shrsi %squeeze3A_415, %shift_right_arithmetic3A_416 : i32
      %shift_right_arithmetic3A_418 = arith.constant 3 : i32
      %shift_right_arithmetic3A_419 = arith.shrsi %shift_right_arithmetic3A_417, %shift_right_arithmetic3A_418 : i32
      %and3A_420 = arith.constant 7 : i32
      %and3A_421 = arith.andi %shift_right_arithmetic3A_417, %and3A_420 : i32
      %mul3A_422 = arith.constant 16 : i32
      %mul3A_423 = arith.muli %scan3A_407, %mul3A_422 : i32
      %add3A_424 = arith.constant 0 : i32
      %add3A_425 = arith.addi %mul3A_423, %add3A_424 : i32
      %dma_start3A_426 = arith.constant 0 : i32
      %dma_start3A_427 = tpu.memref_slice %arg6[%add3A_425, %dma_start3A_426] : memref<512x128xf32, #tpu.memory_space<vmem>> -> memref<1x128xf32, #tpu.memory_space<vmem>>
      %dma_start3A_428 = tpu.memref_squeeze %dma_start3A_427 : memref<1x128xf32, #tpu.memory_space<vmem>> -> memref<128xf32, #tpu.memory_space<vmem>>
      %dma_start3A_429 = arith.constant 0 : i32
      %dma_start3A_430 = tpu.memref_slice %arg2[%shift_right_arithmetic3A_419, %and3A_421, %dma_start3A_429] : memref<977x8x128xf32, #tpu.memory_space<hbm>> -> memref<1x1x128xf32, #tpu.memory_space<hbm>>
      %dma_start3A_431 = tpu.memref_squeeze %dma_start3A_430 : memref<1x1x128xf32, #tpu.memory_space<hbm>> -> memref<128xf32, #tpu.memory_space<hbm>>
      %dma_start3A_432 = arith.constant 0 : i32
      %dma_start3A_433 = tpu.memref_slice %arg6[%add3A_425, %dma_start3A_432] : memref<512x128xf32, #tpu.memory_space<vmem>> -> memref<1x128xf32, #tpu.memory_space<vmem>>
      %dma_start3A_434 = tpu.memref_squeeze %dma_start3A_433 : memref<1x128xf32, #tpu.memory_space<vmem>> -> memref<128xf32, #tpu.memory_space<vmem>>
      %dma_start3A_435 = arith.constant 0 : i32
      %dma_start3A_436 = tpu.memref_slice %arg2[%shift_right_arithmetic3A_419, %and3A_421, %dma_start3A_435] : memref<977x8x128xf32, #tpu.memory_space<hbm>> -> memref<1x1x128xf32, #tpu.memory_space<hbm>>
      %dma_start3A_437 = tpu.memref_squeeze %dma_start3A_436 : memref<1x1x128xf32, #tpu.memory_space<hbm>> -> memref<128xf32, #tpu.memory_space<hbm>>
      tpu.enqueue_dma source(%dma_start3A_437 : memref<128xf32, #tpu.memory_space<hbm>>) target(%dma_start3A_434 : memref<128xf32, #tpu.memory_space<vmem>>) target_semaphore(%arg7 : memref<!tpu.dma_semaphore, #tpu.memory_space<semaphore_mem>>)
      %slice3A_438 = vector.extract_strided_slice %get3A_413 {offsets = [1], sizes = [1], strides = [1]} : vector<16xi32> to vector<1xi32>
      %squeeze3A_439 = vector.extract %slice3A_438[0] : i32 from vector<1xi32>
      %shift_right_arithmetic3A_440 = arith.constant 7 : i32
      %shift_right_arithmetic3A_441 = arith.shrsi %squeeze3A_439, %shift_right_arithmetic3A_440 : i32
      %shift_right_arithmetic3A_442 = arith.constant 3 : i32
      %shift_right_arithmetic3A_443 = arith.shrsi %shift_right_arithmetic3A_441, %shift_right_arithmetic3A_442 : i32
      %and3A_444 = arith.constant 7 : i32
      %and3A_445 = arith.andi %shift_right_arithmetic3A_441, %and3A_444 : i32
      %mul3A_446 = arith.constant 16 : i32
      %mul3A_447 = arith.muli %scan3A_407, %mul3A_446 : i32
      %add3A_448 = arith.constant 1 : i32
      %add3A_449 = arith.addi %mul3A_447, %add3A_448 : i32
      %dma_start3A_450 = arith.constant 0 : i32
      %dma_start3A_451 = tpu.memref_slice %arg6[%add3A_449, %dma_start3A_450] : memref<512x128xf32, #tpu.memory_space<vmem>> -> memref<1x128xf32, #tpu.memory_space<vmem>>
      %dma_start3A_452 = tpu.memref_squeeze %dma_start3A_451 : memref<1x128xf32, #tpu.memory_space<vmem>> -> memref<128xf32, #tpu.memory_space<vmem>>
      %dma_start3A_453 = arith.constant 0 : i32
      %dma_start3A_454 = tpu.memref_slice %arg2[%shift_right_arithmetic3A_443, %and3A_445, %dma_start3A_453] : memref<977x8x128xf32, #tpu.memory_space<hbm>> -> memref<1x1x128xf32, #tpu.memory_space<hbm>>
      %dma_start3A_455 = tpu.memref_squeeze %dma_start3A_454 : memref<1x1x128xf32, #tpu.memory_space<hbm>> -> memref<128xf32, #tpu.memory_space<hbm>>
      %dma_start3A_456 = arith.constant 0 : i32
      %dma_start3A_457 = tpu.memref_slice %arg6[%add3A_449, %dma_start3A_456] : memref<512x128xf32, #tpu.memory_space<vmem>> -> memref<1x128xf32, #tpu.memory_space<vmem>>
      %dma_start3A_458 = tpu.memref_squeeze %dma_start3A_457 : memref<1x128xf32, #tpu.memory_space<vmem>> -> memref<128xf32, #tpu.memory_space<vmem>>
      %dma_start3A_459 = arith.constant 0 : i32
      %dma_start3A_460 = tpu.memref_slice %arg2[%shift_right_arithmetic3A_443, %and3A_445, %dma_start3A_459] : memref<977x8x128xf32, #tpu.memory_space<hbm>> -> memref<1x1x128xf32, #tpu.memory_space<hbm>>
      %dma_start3A_461 = tpu.memref_squeeze %dma_start3A_460 : memref<1x1x128xf32, #tpu.memory_space<hbm>> -> memref<128xf32, #tpu.memory_space<hbm>>
      tpu.enqueue_dma source(%dma_start3A_461 : memref<128xf32, #tpu.memory_space<hbm>>) target(%dma_start3A_458 : memref<128xf32, #tpu.memory_space<vmem>>) target_semaphore(%arg7 : memref<!tpu.dma_semaphore, #tpu.memory_space<semaphore_mem>>)
      %slice3A_462 = vector.extract_strided_slice %get3A_413 {offsets = [2], sizes = [1], strides = [1]} : vector<16xi32> to vector<1xi32>
      %squeeze3A_463 = vector.extract %slice3A_462[0] : i32 from vector<1xi32>
      %shift_right_arithmetic3A_464 = arith.constant 7 : i32
      %shift_right_arithmetic3A_465 = arith.shrsi %squeeze3A_463, %shift_right_arithmetic3A_464 : i32
      %shift_right_arithmetic3A_466 = arith.constant 3 : i32
      %shift_right_arithmetic3A_467 = arith.shrsi %shift_right_arithmetic3A_465, %shift_right_arithmetic3A_466 : i32
      %and3A_468 = arith.constant 7 : i32
      %and3A_469 = arith.andi %shift_right_arithmetic3A_465, %and3A_468 : i32
      %mul3A_470 = arith.constant 16 : i32
      %mul3A_471 = arith.muli %scan3A_407, %mul3A_470 : i32
      %add3A_472 = arith.constant 2 : i32
      %add3A_473 = arith.addi %mul3A_471, %add3A_472 : i32
      %dma_start3A_474 = arith.constant 0 : i32
      %dma_start3A_475 = tpu.memref_slice %arg6[%add3A_473, %dma_start3A_474] : memref<512x128xf32, #tpu.memory_space<vmem>> -> memref<1x128xf32, #tpu.memory_space<vmem>>
      %dma_start3A_476 = tpu.memref_squeeze %dma_start3A_475 : memref<1x128xf32, #tpu.memory_space<vmem>> -> memref<128xf32, #tpu.memory_space<vmem>>
      %dma_start3A_477 = arith.constant 0 : i32
      %dma_start3A_478 = tpu.memref_slice %arg2[%shift_right_arithmetic3A_467, %and3A_469, %dma_start3A_477] : memref<977x8x128xf32, #tpu.memory_space<hbm>> -> memref<1x1x128xf32, #tpu.memory_space<hbm>>
      %dma_start3A_479 = tpu.memref_squeeze %dma_start3A_478 : memref<1x1x128xf32, #tpu.memory_space<hbm>> -> memref<128xf32, #tpu.memory_space<hbm>>
      %dma_start3A_480 = arith.constant 0 : i32
      %dma_start3A_481 = tpu.memref_slice %arg6[%add3A_473, %dma_start3A_480] : memref<512x128xf32, #tpu.memory_space<vmem>> -> memref<1x128xf32, #tpu.memory_space<vmem>>
      %dma_start3A_482 = tpu.memref_squeeze %dma_start3A_481 : memref<1x128xf32, #tpu.memory_space<vmem>> -> memref<128xf32, #tpu.memory_space<vmem>>
      %dma_start3A_483 = arith.constant 0 : i32
      %dma_start3A_484 = tpu.memref_slice %arg2[%shift_right_arithmetic3A_467, %and3A_469, %dma_start3A_483] : memref<977x8x128xf32, #tpu.memory_space<hbm>> -> memref<1x1x128xf32, #tpu.memory_space<hbm>>
      %dma_start3A_485 = tpu.memref_squeeze %dma_start3A_484 : memref<1x1x128xf32, #tpu.memory_space<hbm>> -> memref<128xf32, #tpu.memory_space<hbm>>
      tpu.enqueue_dma source(%dma_start3A_485 : memref<128xf32, #tpu.memory_space<hbm>>) target(%dma_start3A_482 : memref<128xf32, #tpu.memory_space<vmem>>) target_semaphore(%arg7 : memref<!tpu.dma_semaphore, #tpu.memory_space<semaphore_mem>>)
      %slice3A_486 = vector.extract_strided_slice %get3A_413 {offsets = [3], sizes = [1], strides = [1]} : vector<16xi32> to vector<1xi32>
      %squeeze3A_487 = vector.extract %slice3A_486[0] : i32 from vector<1xi32>
      %shift_right_arithmetic3A_488 = arith.constant 7 : i32
      %shift_right_arithmetic3A_489 = arith.shrsi %squeeze3A_487, %shift_right_arithmetic3A_488 : i32
      %shift_right_arithmetic3A_490 = arith.constant 3 : i32
      %shift_right_arithmetic3A_491 = arith.shrsi %shift_right_arithmetic3A_489, %shift_right_arithmetic3A_490 : i32
      %and3A_492 = arith.constant 7 : i32
      %and3A_493 = arith.andi %shift_right_arithmetic3A_489, %and3A_492 : i32
      %mul3A_494 = arith.constant 16 : i32
      %mul3A_495 = arith.muli %scan3A_407, %mul3A_494 : i32
      %add3A_496 = arith.constant 3 : i32
      %add3A_497 = arith.addi %mul3A_495, %add3A_496 : i32
      %dma_start3A_498 = arith.constant 0 : i32
      %dma_start3A_499 = tpu.memref_slice %arg6[%add3A_497, %dma_start3A_498] : memref<512x128xf32, #tpu.memory_space<vmem>> -> memref<1x128xf32, #tpu.memory_space<vmem>>
      %dma_start3A_500 = tpu.memref_squeeze %dma_start3A_499 : memref<1x128xf32, #tpu.memory_space<vmem>> -> memref<128xf32, #tpu.memory_space<vmem>>
      %dma_start3A_501 = arith.constant 0 : i32
      %dma_start3A_502 = tpu.memref_slice %arg2[%shift_right_arithmetic3A_491, %and3A_493, %dma_start3A_501] : memref<977x8x128xf32, #tpu.memory_space<hbm>> -> memref<1x1x128xf32, #tpu.memory_space<hbm>>
      %dma_start3A_503 = tpu.memref_squeeze %dma_start3A_502 : memref<1x1x128xf32, #tpu.memory_space<hbm>> -> memref<128xf32, #tpu.memory_space<hbm>>
      %dma_start3A_504 = arith.constant 0 : i32
      %dma_start3A_505 = tpu.memref_slice %arg6[%add3A_497, %dma_start3A_504] : memref<512x128xf32, #tpu.memory_space<vmem>> -> memref<1x128xf32, #tpu.memory_space<vmem>>
      %dma_start3A_506 = tpu.memref_squeeze %dma_start3A_505 : memref<1x128xf32, #tpu.memory_space<vmem>> -> memref<128xf32, #tpu.memory_space<vmem>>
      %dma_start3A_507 = arith.constant 0 : i32
      %dma_start3A_508 = tpu.memref_slice %arg2[%shift_right_arithmetic3A_491, %and3A_493, %dma_start3A_507] : memref<977x8x128xf32, #tpu.memory_space<hbm>> -> memref<1x1x128xf32, #tpu.memory_space<hbm>>
      %dma_start3A_509 = tpu.memref_squeeze %dma_start3A_508 : memref<1x1x128xf32, #tpu.memory_space<hbm>> -> memref<128xf32, #tpu.memory_space<hbm>>
      tpu.enqueue_dma source(%dma_start3A_509 : memref<128xf32, #tpu.memory_space<hbm>>) target(%dma_start3A_506 : memref<128xf32, #tpu.memory_space<vmem>>) target_semaphore(%arg7 : memref<!tpu.dma_semaphore, #tpu.memory_space<semaphore_mem>>)
      %slice3A_510 = vector.extract_strided_slice %get3A_413 {offsets = [4], sizes = [1], strides = [1]} : vector<16xi32> to vector<1xi32>
      %squeeze3A_511 = vector.extract %slice3A_510[0] : i32 from vector<1xi32>
      %shift_right_arithmetic3A_512 = arith.constant 7 : i32
      %shift_right_arithmetic3A_513 = arith.shrsi %squeeze3A_511, %shift_right_arithmetic3A_512 : i32
      %shift_right_arithmetic3A_514 = arith.constant 3 : i32
      %shift_right_arithmetic3A_515 = arith.shrsi %shift_right_arithmetic3A_513, %shift_right_arithmetic3A_514 : i32
      %and3A_516 = arith.constant 7 : i32
      %and3A_517 = arith.andi %shift_right_arithmetic3A_513, %and3A_516 : i32
      %mul3A_518 = arith.constant 16 : i32
      %mul3A_519 = arith.muli %scan3A_407, %mul3A_518 : i32
      %add3A_520 = arith.constant 4 : i32
      %add3A_521 = arith.addi %mul3A_519, %add3A_520 : i32
      %dma_start3A_522 = arith.constant 0 : i32
      %dma_start3A_523 = tpu.memref_slice %arg6[%add3A_521, %dma_start3A_522] : memref<512x128xf32, #tpu.memory_space<vmem>> -> memref<1x128xf32, #tpu.memory_space<vmem>>
      %dma_start3A_524 = tpu.memref_squeeze %dma_start3A_523 : memref<1x128xf32, #tpu.memory_space<vmem>> -> memref<128xf32, #tpu.memory_space<vmem>>
      %dma_start3A_525 = arith.constant 0 : i32
      %dma_start3A_526 = tpu.memref_slice %arg2[%shift_right_arithmetic3A_515, %and3A_517, %dma_start3A_525] : memref<977x8x128xf32, #tpu.memory_space<hbm>> -> memref<1x1x128xf32, #tpu.memory_space<hbm>>
      %dma_start3A_527 = tpu.memref_squeeze %dma_start3A_526 : memref<1x1x128xf32, #tpu.memory_space<hbm>> -> memref<128xf32, #tpu.memory_space<hbm>>
      %dma_start3A_528 = arith.constant 0 : i32
      %dma_start3A_529 = tpu.memref_slice %arg6[%add3A_521, %dma_start3A_528] : memref<512x128xf32, #tpu.memory_space<vmem>> -> memref<1x128xf32, #tpu.memory_space<vmem>>
      %dma_start3A_530 = tpu.memref_squeeze %dma_start3A_529 : memref<1x128xf32, #tpu.memory_space<vmem>> -> memref<128xf32, #tpu.memory_space<vmem>>
      %dma_start3A_531 = arith.constant 0 : i32
      %dma_start3A_532 = tpu.memref_slice %arg2[%shift_right_arithmetic3A_515, %and3A_517, %dma_start3A_531] : memref<977x8x128xf32, #tpu.memory_space<hbm>> -> memref<1x1x128xf32, #tpu.memory_space<hbm>>
      %dma_start3A_533 = tpu.memref_squeeze %dma_start3A_532 : memref<1x1x128xf32, #tpu.memory_space<hbm>> -> memref<128xf32, #tpu.memory_space<hbm>>
      tpu.enqueue_dma source(%dma_start3A_533 : memref<128xf32, #tpu.memory_space<hbm>>) target(%dma_start3A_530 : memref<128xf32, #tpu.memory_space<vmem>>) target_semaphore(%arg7 : memref<!tpu.dma_semaphore, #tpu.memory_space<semaphore_mem>>)
      %slice3A_534 = vector.extract_strided_slice %get3A_413 {offsets = [5], sizes = [1], strides = [1]} : vector<16xi32> to vector<1xi32>
      %squeeze3A_535 = vector.extract %slice3A_534[0] : i32 from vector<1xi32>
      %shift_right_arithmetic3A_536 = arith.constant 7 : i32
      %shift_right_arithmetic3A_537 = arith.shrsi %squeeze3A_535, %shift_right_arithmetic3A_536 : i32
      %shift_right_arithmetic3A_538 = arith.constant 3 : i32
      %shift_right_arithmetic3A_539 = arith.shrsi %shift_right_arithmetic3A_537, %shift_right_arithmetic3A_538 : i32
      %and3A_540 = arith.constant 7 : i32
      %and3A_541 = arith.andi %shift_right_arithmetic3A_537, %and3A_540 : i32
      %mul3A_542 = arith.constant 16 : i32
      %mul3A_543 = arith.muli %scan3A_407, %mul3A_542 : i32
      %add3A_544 = arith.constant 5 : i32
      %add3A_545 = arith.addi %mul3A_543, %add3A_544 : i32
      %dma_start3A_546 = arith.constant 0 : i32
      %dma_start3A_547 = tpu.memref_slice %arg6[%add3A_545, %dma_start3A_546] : memref<512x128xf32, #tpu.memory_space<vmem>> -> memref<1x128xf32, #tpu.memory_space<vmem>>
      %dma_start3A_548 = tpu.memref_squeeze %dma_start3A_547 : memref<1x128xf32, #tpu.memory_space<vmem>> -> memref<128xf32, #tpu.memory_space<vmem>>
      %dma_start3A_549 = arith.constant 0 : i32
      %dma_start3A_550 = tpu.memref_slice %arg2[%shift_right_arithmetic3A_539, %and3A_541, %dma_start3A_549] : memref<977x8x128xf32, #tpu.memory_space<hbm>> -> memref<1x1x128xf32, #tpu.memory_space<hbm>>
      %dma_start3A_551 = tpu.memref_squeeze %dma_start3A_550 : memref<1x1x128xf32, #tpu.memory_space<hbm>> -> memref<128xf32, #tpu.memory_space<hbm>>
      %dma_start3A_552 = arith.constant 0 : i32
      %dma_start3A_553 = tpu.memref_slice %arg6[%add3A_545, %dma_start3A_552] : memref<512x128xf32, #tpu.memory_space<vmem>> -> memref<1x128xf32, #tpu.memory_space<vmem>>
      %dma_start3A_554 = tpu.memref_squeeze %dma_start3A_553 : memref<1x128xf32, #tpu.memory_space<vmem>> -> memref<128xf32, #tpu.memory_space<vmem>>
      %dma_start3A_555 = arith.constant 0 : i32
      %dma_start3A_556 = tpu.memref_slice %arg2[%shift_right_arithmetic3A_539, %and3A_541, %dma_start3A_555] : memref<977x8x128xf32, #tpu.memory_space<hbm>> -> memref<1x1x128xf32, #tpu.memory_space<hbm>>
      %dma_start3A_557 = tpu.memref_squeeze %dma_start3A_556 : memref<1x1x128xf32, #tpu.memory_space<hbm>> -> memref<128xf32, #tpu.memory_space<hbm>>
      tpu.enqueue_dma source(%dma_start3A_557 : memref<128xf32, #tpu.memory_space<hbm>>) target(%dma_start3A_554 : memref<128xf32, #tpu.memory_space<vmem>>) target_semaphore(%arg7 : memref<!tpu.dma_semaphore, #tpu.memory_space<semaphore_mem>>)
      %slice3A_558 = vector.extract_strided_slice %get3A_413 {offsets = [6], sizes = [1], strides = [1]} : vector<16xi32> to vector<1xi32>
      %squeeze3A_559 = vector.extract %slice3A_558[0] : i32 from vector<1xi32>
      %shift_right_arithmetic3A_560 = arith.constant 7 : i32
      %shift_right_arithmetic3A_561 = arith.shrsi %squeeze3A_559, %shift_right_arithmetic3A_560 : i32
      %shift_right_arithmetic3A_562 = arith.constant 3 : i32
      %shift_right_arithmetic3A_563 = arith.shrsi %shift_right_arithmetic3A_561, %shift_right_arithmetic3A_562 : i32
      %and3A_564 = arith.constant 7 : i32
      %and3A_565 = arith.andi %shift_right_arithmetic3A_561, %and3A_564 : i32
      %mul3A_566 = arith.constant 16 : i32
      %mul3A_567 = arith.muli %scan3A_407, %mul3A_566 : i32
      %add3A_568 = arith.constant 6 : i32
      %add3A_569 = arith.addi %mul3A_567, %add3A_568 : i32
      %dma_start3A_570 = arith.constant 0 : i32
      %dma_start3A_571 = tpu.memref_slice %arg6[%add3A_569, %dma_start3A_570] : memref<512x128xf32, #tpu.memory_space<vmem>> -> memref<1x128xf32, #tpu.memory_space<vmem>>
      %dma_start3A_572 = tpu.memref_squeeze %dma_start3A_571 : memref<1x128xf32, #tpu.memory_space<vmem>> -> memref<128xf32, #tpu.memory_space<vmem>>
      %dma_start3A_573 = arith.constant 0 : i32
      %dma_start3A_574 = tpu.memref_slice %arg2[%shift_right_arithmetic3A_563, %and3A_565, %dma_start3A_573] : memref<977x8x128xf32, #tpu.memory_space<hbm>> -> memref<1x1x128xf32, #tpu.memory_space<hbm>>
      %dma_start3A_575 = tpu.memref_squeeze %dma_start3A_574 : memref<1x1x128xf32, #tpu.memory_space<hbm>> -> memref<128xf32, #tpu.memory_space<hbm>>
      %dma_start3A_576 = arith.constant 0 : i32
      %dma_start3A_577 = tpu.memref_slice %arg6[%add3A_569, %dma_start3A_576] : memref<512x128xf32, #tpu.memory_space<vmem>> -> memref<1x128xf32, #tpu.memory_space<vmem>>
      %dma_start3A_578 = tpu.memref_squeeze %dma_start3A_577 : memref<1x128xf32, #tpu.memory_space<vmem>> -> memref<128xf32, #tpu.memory_space<vmem>>
      %dma_start3A_579 = arith.constant 0 : i32
      %dma_start3A_580 = tpu.memref_slice %arg2[%shift_right_arithmetic3A_563, %and3A_565, %dma_start3A_579] : memref<977x8x128xf32, #tpu.memory_space<hbm>> -> memref<1x1x128xf32, #tpu.memory_space<hbm>>
      %dma_start3A_581 = tpu.memref_squeeze %dma_start3A_580 : memref<1x1x128xf32, #tpu.memory_space<hbm>> -> memref<128xf32, #tpu.memory_space<hbm>>
      tpu.enqueue_dma source(%dma_start3A_581 : memref<128xf32, #tpu.memory_space<hbm>>) target(%dma_start3A_578 : memref<128xf32, #tpu.memory_space<vmem>>) target_semaphore(%arg7 : memref<!tpu.dma_semaphore, #tpu.memory_space<semaphore_mem>>)
      %slice3A_582 = vector.extract_strided_slice %get3A_413 {offsets = [7], sizes = [1], strides = [1]} : vector<16xi32> to vector<1xi32>
      %squeeze3A_583 = vector.extract %slice3A_582[0] : i32 from vector<1xi32>
      %shift_right_arithmetic3A_584 = arith.constant 7 : i32
      %shift_right_arithmetic3A_585 = arith.shrsi %squeeze3A_583, %shift_right_arithmetic3A_584 : i32
      %shift_right_arithmetic3A_586 = arith.constant 3 : i32
      %shift_right_arithmetic3A_587 = arith.shrsi %shift_right_arithmetic3A_585, %shift_right_arithmetic3A_586 : i32
      %and3A_588 = arith.constant 7 : i32
      %and3A_589 = arith.andi %shift_right_arithmetic3A_585, %and3A_588 : i32
      %mul3A_590 = arith.constant 16 : i32
      %mul3A_591 = arith.muli %scan3A_407, %mul3A_590 : i32
      %add3A_592 = arith.constant 7 : i32
      %add3A_593 = arith.addi %mul3A_591, %add3A_592 : i32
      %dma_start3A_594 = arith.constant 0 : i32
      %dma_start3A_595 = tpu.memref_slice %arg6[%add3A_593, %dma_start3A_594] : memref<512x128xf32, #tpu.memory_space<vmem>> -> memref<1x128xf32, #tpu.memory_space<vmem>>
      %dma_start3A_596 = tpu.memref_squeeze %dma_start3A_595 : memref<1x128xf32, #tpu.memory_space<vmem>> -> memref<128xf32, #tpu.memory_space<vmem>>
      %dma_start3A_597 = arith.constant 0 : i32
      %dma_start3A_598 = tpu.memref_slice %arg2[%shift_right_arithmetic3A_587, %and3A_589, %dma_start3A_597] : memref<977x8x128xf32, #tpu.memory_space<hbm>> -> memref<1x1x128xf32, #tpu.memory_space<hbm>>
      %dma_start3A_599 = tpu.memref_squeeze %dma_start3A_598 : memref<1x1x128xf32, #tpu.memory_space<hbm>> -> memref<128xf32, #tpu.memory_space<hbm>>
      %dma_start3A_600 = arith.constant 0 : i32
      %dma_start3A_601 = tpu.memref_slice %arg6[%add3A_593, %dma_start3A_600] : memref<512x128xf32, #tpu.memory_space<vmem>> -> memref<1x128xf32, #tpu.memory_space<vmem>>
      %dma_start3A_602 = tpu.memref_squeeze %dma_start3A_601 : memref<1x128xf32, #tpu.memory_space<vmem>> -> memref<128xf32, #tpu.memory_space<vmem>>
      %dma_start3A_603 = arith.constant 0 : i32
      %dma_start3A_604 = tpu.memref_slice %arg2[%shift_right_arithmetic3A_587, %and3A_589, %dma_start3A_603] : memref<977x8x128xf32, #tpu.memory_space<hbm>> -> memref<1x1x128xf32, #tpu.memory_space<hbm>>
      %dma_start3A_605 = tpu.memref_squeeze %dma_start3A_604 : memref<1x1x128xf32, #tpu.memory_space<hbm>> -> memref<128xf32, #tpu.memory_space<hbm>>
      tpu.enqueue_dma source(%dma_start3A_605 : memref<128xf32, #tpu.memory_space<hbm>>) target(%dma_start3A_602 : memref<128xf32, #tpu.memory_space<vmem>>) target_semaphore(%arg7 : memref<!tpu.dma_semaphore, #tpu.memory_space<semaphore_mem>>)
      %slice3A_606 = vector.extract_strided_slice %get3A_413 {offsets = [8], sizes = [1], strides = [1]} : vector<16xi32> to vector<1xi32>
      %squeeze3A_607 = vector.extract %slice3A_606[0] : i32 from vector<1xi32>
      %shift_right_arithmetic3A_608 = arith.constant 7 : i32
      %shift_right_arithmetic3A_609 = arith.shrsi %squeeze3A_607, %shift_right_arithmetic3A_608 : i32
      %shift_right_arithmetic3A_610 = arith.constant 3 : i32
      %shift_right_arithmetic3A_611 = arith.shrsi %shift_right_arithmetic3A_609, %shift_right_arithmetic3A_610 : i32
      %and3A_612 = arith.constant 7 : i32
      %and3A_613 = arith.andi %shift_right_arithmetic3A_609, %and3A_612 : i32
      %mul3A_614 = arith.constant 16 : i32
      %mul3A_615 = arith.muli %scan3A_407, %mul3A_614 : i32
      %add3A_616 = arith.constant 8 : i32
      %add3A_617 = arith.addi %mul3A_615, %add3A_616 : i32
      %dma_start3A_618 = arith.constant 0 : i32
      %dma_start3A_619 = tpu.memref_slice %arg6[%add3A_617, %dma_start3A_618] : memref<512x128xf32, #tpu.memory_space<vmem>> -> memref<1x128xf32, #tpu.memory_space<vmem>>
      %dma_start3A_620 = tpu.memref_squeeze %dma_start3A_619 : memref<1x128xf32, #tpu.memory_space<vmem>> -> memref<128xf32, #tpu.memory_space<vmem>>
      %dma_start3A_621 = arith.constant 0 : i32
      %dma_start3A_622 = tpu.memref_slice %arg2[%shift_right_arithmetic3A_611, %and3A_613, %dma_start3A_621] : memref<977x8x128xf32, #tpu.memory_space<hbm>> -> memref<1x1x128xf32, #tpu.memory_space<hbm>>
      %dma_start3A_623 = tpu.memref_squeeze %dma_start3A_622 : memref<1x1x128xf32, #tpu.memory_space<hbm>> -> memref<128xf32, #tpu.memory_space<hbm>>
      %dma_start3A_624 = arith.constant 0 : i32
      %dma_start3A_625 = tpu.memref_slice %arg6[%add3A_617, %dma_start3A_624] : memref<512x128xf32, #tpu.memory_space<vmem>> -> memref<1x128xf32, #tpu.memory_space<vmem>>
      %dma_start3A_626 = tpu.memref_squeeze %dma_start3A_625 : memref<1x128xf32, #tpu.memory_space<vmem>> -> memref<128xf32, #tpu.memory_space<vmem>>
      %dma_start3A_627 = arith.constant 0 : i32
      %dma_start3A_628 = tpu.memref_slice %arg2[%shift_right_arithmetic3A_611, %and3A_613, %dma_start3A_627] : memref<977x8x128xf32, #tpu.memory_space<hbm>> -> memref<1x1x128xf32, #tpu.memory_space<hbm>>
      %dma_start3A_629 = tpu.memref_squeeze %dma_start3A_628 : memref<1x1x128xf32, #tpu.memory_space<hbm>> -> memref<128xf32, #tpu.memory_space<hbm>>
      tpu.enqueue_dma source(%dma_start3A_629 : memref<128xf32, #tpu.memory_space<hbm>>) target(%dma_start3A_626 : memref<128xf32, #tpu.memory_space<vmem>>) target_semaphore(%arg7 : memref<!tpu.dma_semaphore, #tpu.memory_space<semaphore_mem>>)
      %slice3A_630 = vector.extract_strided_slice %get3A_413 {offsets = [9], sizes = [1], strides = [1]} : vector<16xi32> to vector<1xi32>
      %squeeze3A_631 = vector.extract %slice3A_630[0] : i32 from vector<1xi32>
      %shift_right_arithmetic3A_632 = arith.constant 7 : i32
      %shift_right_arithmetic3A_633 = arith.shrsi %squeeze3A_631, %shift_right_arithmetic3A_632 : i32
      %shift_right_arithmetic3A_634 = arith.constant 3 : i32
      %shift_right_arithmetic3A_635 = arith.shrsi %shift_right_arithmetic3A_633, %shift_right_arithmetic3A_634 : i32
      %and3A_636 = arith.constant 7 : i32
      %and3A_637 = arith.andi %shift_right_arithmetic3A_633, %and3A_636 : i32
      %mul3A_638 = arith.constant 16 : i32
      %mul3A_639 = arith.muli %scan3A_407, %mul3A_638 : i32
      %add3A_640 = arith.constant 9 : i32
      %add3A_641 = arith.addi %mul3A_639, %add3A_640 : i32
      %dma_start3A_642 = arith.constant 0 : i32
      %dma_start3A_643 = tpu.memref_slice %arg6[%add3A_641, %dma_start3A_642] : memref<512x128xf32, #tpu.memory_space<vmem>> -> memref<1x128xf32, #tpu.memory_space<vmem>>
      %dma_start3A_644 = tpu.memref_squeeze %dma_start3A_643 : memref<1x128xf32, #tpu.memory_space<vmem>> -> memref<128xf32, #tpu.memory_space<vmem>>
      %dma_start3A_645 = arith.constant 0 : i32
      %dma_start3A_646 = tpu.memref_slice %arg2[%shift_right_arithmetic3A_635, %and3A_637, %dma_start3A_645] : memref<977x8x128xf32, #tpu.memory_space<hbm>> -> memref<1x1x128xf32, #tpu.memory_space<hbm>>
      %dma_start3A_647 = tpu.memref_squeeze %dma_start3A_646 : memref<1x1x128xf32, #tpu.memory_space<hbm>> -> memref<128xf32, #tpu.memory_space<hbm>>
      %dma_start3A_648 = arith.constant 0 : i32
      %dma_start3A_649 = tpu.memref_slice %arg6[%add3A_641, %dma_start3A_648] : memref<512x128xf32, #tpu.memory_space<vmem>> -> memref<1x128xf32, #tpu.memory_space<vmem>>
      %dma_start3A_650 = tpu.memref_squeeze %dma_start3A_649 : memref<1x128xf32, #tpu.memory_space<vmem>> -> memref<128xf32, #tpu.memory_space<vmem>>
      %dma_start3A_651 = arith.constant 0 : i32
      %dma_start3A_652 = tpu.memref_slice %arg2[%shift_right_arithmetic3A_635, %and3A_637, %dma_start3A_651] : memref<977x8x128xf32, #tpu.memory_space<hbm>> -> memref<1x1x128xf32, #tpu.memory_space<hbm>>
      %dma_start3A_653 = tpu.memref_squeeze %dma_start3A_652 : memref<1x1x128xf32, #tpu.memory_space<hbm>> -> memref<128xf32, #tpu.memory_space<hbm>>
      tpu.enqueue_dma source(%dma_start3A_653 : memref<128xf32, #tpu.memory_space<hbm>>) target(%dma_start3A_650 : memref<128xf32, #tpu.memory_space<vmem>>) target_semaphore(%arg7 : memref<!tpu.dma_semaphore, #tpu.memory_space<semaphore_mem>>)
      %slice3A_654 = vector.extract_strided_slice %get3A_413 {offsets = [10], sizes = [1], strides = [1]} : vector<16xi32> to vector<1xi32>
      %squeeze3A_655 = vector.extract %slice3A_654[0] : i32 from vector<1xi32>
      %shift_right_arithmetic3A_656 = arith.constant 7 : i32
      %shift_right_arithmetic3A_657 = arith.shrsi %squeeze3A_655, %shift_right_arithmetic3A_656 : i32
      %shift_right_arithmetic3A_658 = arith.constant 3 : i32
      %shift_right_arithmetic3A_659 = arith.shrsi %shift_right_arithmetic3A_657, %shift_right_arithmetic3A_658 : i32
      %and3A_660 = arith.constant 7 : i32
      %and3A_661 = arith.andi %shift_right_arithmetic3A_657, %and3A_660 : i32
      %mul3A_662 = arith.constant 16 : i32
      %mul3A_663 = arith.muli %scan3A_407, %mul3A_662 : i32
      %add3A_664 = arith.constant 10 : i32
      %add3A_665 = arith.addi %mul3A_663, %add3A_664 : i32
      %dma_start3A_666 = arith.constant 0 : i32
      %dma_start3A_667 = tpu.memref_slice %arg6[%add3A_665, %dma_start3A_666] : memref<512x128xf32, #tpu.memory_space<vmem>> -> memref<1x128xf32, #tpu.memory_space<vmem>>
      %dma_start3A_668 = tpu.memref_squeeze %dma_start3A_667 : memref<1x128xf32, #tpu.memory_space<vmem>> -> memref<128xf32, #tpu.memory_space<vmem>>
      %dma_start3A_669 = arith.constant 0 : i32
      %dma_start3A_670 = tpu.memref_slice %arg2[%shift_right_arithmetic3A_659, %and3A_661, %dma_start3A_669] : memref<977x8x128xf32, #tpu.memory_space<hbm>> -> memref<1x1x128xf32, #tpu.memory_space<hbm>>
      %dma_start3A_671 = tpu.memref_squeeze %dma_start3A_670 : memref<1x1x128xf32, #tpu.memory_space<hbm>> -> memref<128xf32, #tpu.memory_space<hbm>>
      %dma_start3A_672 = arith.constant 0 : i32
      %dma_start3A_673 = tpu.memref_slice %arg6[%add3A_665, %dma_start3A_672] : memref<512x128xf32, #tpu.memory_space<vmem>> -> memref<1x128xf32, #tpu.memory_space<vmem>>
      %dma_start3A_674 = tpu.memref_squeeze %dma_start3A_673 : memref<1x128xf32, #tpu.memory_space<vmem>> -> memref<128xf32, #tpu.memory_space<vmem>>
      %dma_start3A_675 = arith.constant 0 : i32
      %dma_start3A_676 = tpu.memref_slice %arg2[%shift_right_arithmetic3A_659, %and3A_661, %dma_start3A_675] : memref<977x8x128xf32, #tpu.memory_space<hbm>> -> memref<1x1x128xf32, #tpu.memory_space<hbm>>
      %dma_start3A_677 = tpu.memref_squeeze %dma_start3A_676 : memref<1x1x128xf32, #tpu.memory_space<hbm>> -> memref<128xf32, #tpu.memory_space<hbm>>
      tpu.enqueue_dma source(%dma_start3A_677 : memref<128xf32, #tpu.memory_space<hbm>>) target(%dma_start3A_674 : memref<128xf32, #tpu.memory_space<vmem>>) target_semaphore(%arg7 : memref<!tpu.dma_semaphore, #tpu.memory_space<semaphore_mem>>)
      %slice3A_678 = vector.extract_strided_slice %get3A_413 {offsets = [11], sizes = [1], strides = [1]} : vector<16xi32> to vector<1xi32>
      %squeeze3A_679 = vector.extract %slice3A_678[0] : i32 from vector<1xi32>
      %shift_right_arithmetic3A_680 = arith.constant 7 : i32
      %shift_right_arithmetic3A_681 = arith.shrsi %squeeze3A_679, %shift_right_arithmetic3A_680 : i32
      %shift_right_arithmetic3A_682 = arith.constant 3 : i32
      %shift_right_arithmetic3A_683 = arith.shrsi %shift_right_arithmetic3A_681, %shift_right_arithmetic3A_682 : i32
      %and3A_684 = arith.constant 7 : i32
      %and3A_685 = arith.andi %shift_right_arithmetic3A_681, %and3A_684 : i32
      %mul3A_686 = arith.constant 16 : i32
      %mul3A_687 = arith.muli %scan3A_407, %mul3A_686 : i32
      %add3A_688 = arith.constant 11 : i32
      %add3A_689 = arith.addi %mul3A_687, %add3A_688 : i32
      %dma_start3A_690 = arith.constant 0 : i32
      %dma_start3A_691 = tpu.memref_slice %arg6[%add3A_689, %dma_start3A_690] : memref<512x128xf32, #tpu.memory_space<vmem>> -> memref<1x128xf32, #tpu.memory_space<vmem>>
      %dma_start3A_692 = tpu.memref_squeeze %dma_start3A_691 : memref<1x128xf32, #tpu.memory_space<vmem>> -> memref<128xf32, #tpu.memory_space<vmem>>
      %dma_start3A_693 = arith.constant 0 : i32
      %dma_start3A_694 = tpu.memref_slice %arg2[%shift_right_arithmetic3A_683, %and3A_685, %dma_start3A_693] : memref<977x8x128xf32, #tpu.memory_space<hbm>> -> memref<1x1x128xf32, #tpu.memory_space<hbm>>
      %dma_start3A_695 = tpu.memref_squeeze %dma_start3A_694 : memref<1x1x128xf32, #tpu.memory_space<hbm>> -> memref<128xf32, #tpu.memory_space<hbm>>
      %dma_start3A_696 = arith.constant 0 : i32
      %dma_start3A_697 = tpu.memref_slice %arg6[%add3A_689, %dma_start3A_696] : memref<512x128xf32, #tpu.memory_space<vmem>> -> memref<1x128xf32, #tpu.memory_space<vmem>>
      %dma_start3A_698 = tpu.memref_squeeze %dma_start3A_697 : memref<1x128xf32, #tpu.memory_space<vmem>> -> memref<128xf32, #tpu.memory_space<vmem>>
      %dma_start3A_699 = arith.constant 0 : i32
      %dma_start3A_700 = tpu.memref_slice %arg2[%shift_right_arithmetic3A_683, %and3A_685, %dma_start3A_699] : memref<977x8x128xf32, #tpu.memory_space<hbm>> -> memref<1x1x128xf32, #tpu.memory_space<hbm>>
      %dma_start3A_701 = tpu.memref_squeeze %dma_start3A_700 : memref<1x1x128xf32, #tpu.memory_space<hbm>> -> memref<128xf32, #tpu.memory_space<hbm>>
      tpu.enqueue_dma source(%dma_start3A_701 : memref<128xf32, #tpu.memory_space<hbm>>) target(%dma_start3A_698 : memref<128xf32, #tpu.memory_space<vmem>>) target_semaphore(%arg7 : memref<!tpu.dma_semaphore, #tpu.memory_space<semaphore_mem>>)
      %slice3A_702 = vector.extract_strided_slice %get3A_413 {offsets = [12], sizes = [1], strides = [1]} : vector<16xi32> to vector<1xi32>
      %squeeze3A_703 = vector.extract %slice3A_702[0] : i32 from vector<1xi32>
      %shift_right_arithmetic3A_704 = arith.constant 7 : i32
      %shift_right_arithmetic3A_705 = arith.shrsi %squeeze3A_703, %shift_right_arithmetic3A_704 : i32
      %shift_right_arithmetic3A_706 = arith.constant 3 : i32
      %shift_right_arithmetic3A_707 = arith.shrsi %shift_right_arithmetic3A_705, %shift_right_arithmetic3A_706 : i32
      %and3A_708 = arith.constant 7 : i32
      %and3A_709 = arith.andi %shift_right_arithmetic3A_705, %and3A_708 : i32
      %mul3A_710 = arith.constant 16 : i32
      %mul3A_711 = arith.muli %scan3A_407, %mul3A_710 : i32
      %add3A_712 = arith.constant 12 : i32
      %add3A_713 = arith.addi %mul3A_711, %add3A_712 : i32
      %dma_start3A_714 = arith.constant 0 : i32
      %dma_start3A_715 = tpu.memref_slice %arg6[%add3A_713, %dma_start3A_714] : memref<512x128xf32, #tpu.memory_space<vmem>> -> memref<1x128xf32, #tpu.memory_space<vmem>>
      %dma_start3A_716 = tpu.memref_squeeze %dma_start3A_715 : memref<1x128xf32, #tpu.memory_space<vmem>> -> memref<128xf32, #tpu.memory_space<vmem>>
      %dma_start3A_717 = arith.constant 0 : i32
      %dma_start3A_718 = tpu.memref_slice %arg2[%shift_right_arithmetic3A_707, %and3A_709, %dma_start3A_717] : memref<977x8x128xf32, #tpu.memory_space<hbm>> -> memref<1x1x128xf32, #tpu.memory_space<hbm>>
      %dma_start3A_719 = tpu.memref_squeeze %dma_start3A_718 : memref<1x1x128xf32, #tpu.memory_space<hbm>> -> memref<128xf32, #tpu.memory_space<hbm>>
      %dma_start3A_720 = arith.constant 0 : i32
      %dma_start3A_721 = tpu.memref_slice %arg6[%add3A_713, %dma_start3A_720] : memref<512x128xf32, #tpu.memory_space<vmem>> -> memref<1x128xf32, #tpu.memory_space<vmem>>
      %dma_start3A_722 = tpu.memref_squeeze %dma_start3A_721 : memref<1x128xf32, #tpu.memory_space<vmem>> -> memref<128xf32, #tpu.memory_space<vmem>>
      %dma_start3A_723 = arith.constant 0 : i32
      %dma_start3A_724 = tpu.memref_slice %arg2[%shift_right_arithmetic3A_707, %and3A_709, %dma_start3A_723] : memref<977x8x128xf32, #tpu.memory_space<hbm>> -> memref<1x1x128xf32, #tpu.memory_space<hbm>>
      %dma_start3A_725 = tpu.memref_squeeze %dma_start3A_724 : memref<1x1x128xf32, #tpu.memory_space<hbm>> -> memref<128xf32, #tpu.memory_space<hbm>>
      tpu.enqueue_dma source(%dma_start3A_725 : memref<128xf32, #tpu.memory_space<hbm>>) target(%dma_start3A_722 : memref<128xf32, #tpu.memory_space<vmem>>) target_semaphore(%arg7 : memref<!tpu.dma_semaphore, #tpu.memory_space<semaphore_mem>>)
      %slice3A_726 = vector.extract_strided_slice %get3A_413 {offsets = [13], sizes = [1], strides = [1]} : vector<16xi32> to vector<1xi32>
      %squeeze3A_727 = vector.extract %slice3A_726[0] : i32 from vector<1xi32>
      %shift_right_arithmetic3A_728 = arith.constant 7 : i32
      %shift_right_arithmetic3A_729 = arith.shrsi %squeeze3A_727, %shift_right_arithmetic3A_728 : i32
      %shift_right_arithmetic3A_730 = arith.constant 3 : i32
      %shift_right_arithmetic3A_731 = arith.shrsi %shift_right_arithmetic3A_729, %shift_right_arithmetic3A_730 : i32
      %and3A_732 = arith.constant 7 : i32
      %and3A_733 = arith.andi %shift_right_arithmetic3A_729, %and3A_732 : i32
      %mul3A_734 = arith.constant 16 : i32
      %mul3A_735 = arith.muli %scan3A_407, %mul3A_734 : i32
      %add3A_736 = arith.constant 13 : i32
      %add3A_737 = arith.addi %mul3A_735, %add3A_736 : i32
      %dma_start3A_738 = arith.constant 0 : i32
      %dma_start3A_739 = tpu.memref_slice %arg6[%add3A_737, %dma_start3A_738] : memref<512x128xf32, #tpu.memory_space<vmem>> -> memref<1x128xf32, #tpu.memory_space<vmem>>
      %dma_start3A_740 = tpu.memref_squeeze %dma_start3A_739 : memref<1x128xf32, #tpu.memory_space<vmem>> -> memref<128xf32, #tpu.memory_space<vmem>>
      %dma_start3A_741 = arith.constant 0 : i32
      %dma_start3A_742 = tpu.memref_slice %arg2[%shift_right_arithmetic3A_731, %and3A_733, %dma_start3A_741] : memref<977x8x128xf32, #tpu.memory_space<hbm>> -> memref<1x1x128xf32, #tpu.memory_space<hbm>>
      %dma_start3A_743 = tpu.memref_squeeze %dma_start3A_742 : memref<1x1x128xf32, #tpu.memory_space<hbm>> -> memref<128xf32, #tpu.memory_space<hbm>>
      %dma_start3A_744 = arith.constant 0 : i32
      %dma_start3A_745 = tpu.memref_slice %arg6[%add3A_737, %dma_start3A_744] : memref<512x128xf32, #tpu.memory_space<vmem>> -> memref<1x128xf32, #tpu.memory_space<vmem>>
      %dma_start3A_746 = tpu.memref_squeeze %dma_start3A_745 : memref<1x128xf32, #tpu.memory_space<vmem>> -> memref<128xf32, #tpu.memory_space<vmem>>
      %dma_start3A_747 = arith.constant 0 : i32
      %dma_start3A_748 = tpu.memref_slice %arg2[%shift_right_arithmetic3A_731, %and3A_733, %dma_start3A_747] : memref<977x8x128xf32, #tpu.memory_space<hbm>> -> memref<1x1x128xf32, #tpu.memory_space<hbm>>
      %dma_start3A_749 = tpu.memref_squeeze %dma_start3A_748 : memref<1x1x128xf32, #tpu.memory_space<hbm>> -> memref<128xf32, #tpu.memory_space<hbm>>
      tpu.enqueue_dma source(%dma_start3A_749 : memref<128xf32, #tpu.memory_space<hbm>>) target(%dma_start3A_746 : memref<128xf32, #tpu.memory_space<vmem>>) target_semaphore(%arg7 : memref<!tpu.dma_semaphore, #tpu.memory_space<semaphore_mem>>)
      %slice3A_750 = vector.extract_strided_slice %get3A_413 {offsets = [14], sizes = [1], strides = [1]} : vector<16xi32> to vector<1xi32>
      %squeeze3A_751 = vector.extract %slice3A_750[0] : i32 from vector<1xi32>
      %shift_right_arithmetic3A_752 = arith.constant 7 : i32
      %shift_right_arithmetic3A_753 = arith.shrsi %squeeze3A_751, %shift_right_arithmetic3A_752 : i32
      %shift_right_arithmetic3A_754 = arith.constant 3 : i32
      %shift_right_arithmetic3A_755 = arith.shrsi %shift_right_arithmetic3A_753, %shift_right_arithmetic3A_754 : i32
      %and3A_756 = arith.constant 7 : i32
      %and3A_757 = arith.andi %shift_right_arithmetic3A_753, %and3A_756 : i32
      %mul3A_758 = arith.constant 16 : i32
      %mul3A_759 = arith.muli %scan3A_407, %mul3A_758 : i32
      %add3A_760 = arith.constant 14 : i32
      %add3A_761 = arith.addi %mul3A_759, %add3A_760 : i32
      %dma_start3A_762 = arith.constant 0 : i32
      %dma_start3A_763 = tpu.memref_slice %arg6[%add3A_761, %dma_start3A_762] : memref<512x128xf32, #tpu.memory_space<vmem>> -> memref<1x128xf32, #tpu.memory_space<vmem>>
      %dma_start3A_764 = tpu.memref_squeeze %dma_start3A_763 : memref<1x128xf32, #tpu.memory_space<vmem>> -> memref<128xf32, #tpu.memory_space<vmem>>
      %dma_start3A_765 = arith.constant 0 : i32
      %dma_start3A_766 = tpu.memref_slice %arg2[%shift_right_arithmetic3A_755, %and3A_757, %dma_start3A_765] : memref<977x8x128xf32, #tpu.memory_space<hbm>> -> memref<1x1x128xf32, #tpu.memory_space<hbm>>
      %dma_start3A_767 = tpu.memref_squeeze %dma_start3A_766 : memref<1x1x128xf32, #tpu.memory_space<hbm>> -> memref<128xf32, #tpu.memory_space<hbm>>
      %dma_start3A_768 = arith.constant 0 : i32
      %dma_start3A_769 = tpu.memref_slice %arg6[%add3A_761, %dma_start3A_768] : memref<512x128xf32, #tpu.memory_space<vmem>> -> memref<1x128xf32, #tpu.memory_space<vmem>>
      %dma_start3A_770 = tpu.memref_squeeze %dma_start3A_769 : memref<1x128xf32, #tpu.memory_space<vmem>> -> memref<128xf32, #tpu.memory_space<vmem>>
      %dma_start3A_771 = arith.constant 0 : i32
      %dma_start3A_772 = tpu.memref_slice %arg2[%shift_right_arithmetic3A_755, %and3A_757, %dma_start3A_771] : memref<977x8x128xf32, #tpu.memory_space<hbm>> -> memref<1x1x128xf32, #tpu.memory_space<hbm>>
      %dma_start3A_773 = tpu.memref_squeeze %dma_start3A_772 : memref<1x1x128xf32, #tpu.memory_space<hbm>> -> memref<128xf32, #tpu.memory_space<hbm>>
      tpu.enqueue_dma source(%dma_start3A_773 : memref<128xf32, #tpu.memory_space<hbm>>) target(%dma_start3A_770 : memref<128xf32, #tpu.memory_space<vmem>>) target_semaphore(%arg7 : memref<!tpu.dma_semaphore, #tpu.memory_space<semaphore_mem>>)
      %slice3A_774 = vector.extract_strided_slice %get3A_413 {offsets = [15], sizes = [1], strides = [1]} : vector<16xi32> to vector<1xi32>
      %squeeze3A_775 = vector.extract %slice3A_774[0] : i32 from vector<1xi32>
      %shift_right_arithmetic3A_776 = arith.constant 7 : i32
      %shift_right_arithmetic3A_777 = arith.shrsi %squeeze3A_775, %shift_right_arithmetic3A_776 : i32
      %shift_right_arithmetic3A_778 = arith.constant 3 : i32
      %shift_right_arithmetic3A_779 = arith.shrsi %shift_right_arithmetic3A_777, %shift_right_arithmetic3A_778 : i32
      %and3A_780 = arith.constant 7 : i32
      %and3A_781 = arith.andi %shift_right_arithmetic3A_777, %and3A_780 : i32
      %mul3A_782 = arith.constant 16 : i32
      %mul3A_783 = arith.muli %scan3A_407, %mul3A_782 : i32
      %add3A_784 = arith.constant 15 : i32
      %add3A_785 = arith.addi %mul3A_783, %add3A_784 : i32
      %dma_start3A_786 = arith.constant 0 : i32
      %dma_start3A_787 = tpu.memref_slice %arg6[%add3A_785, %dma_start3A_786] : memref<512x128xf32, #tpu.memory_space<vmem>> -> memref<1x128xf32, #tpu.memory_space<vmem>>
      %dma_start3A_788 = tpu.memref_squeeze %dma_start3A_787 : memref<1x128xf32, #tpu.memory_space<vmem>> -> memref<128xf32, #tpu.memory_space<vmem>>
      %dma_start3A_789 = arith.constant 0 : i32
      %dma_start3A_790 = tpu.memref_slice %arg2[%shift_right_arithmetic3A_779, %and3A_781, %dma_start3A_789] : memref<977x8x128xf32, #tpu.memory_space<hbm>> -> memref<1x1x128xf32, #tpu.memory_space<hbm>>
      %dma_start3A_791 = tpu.memref_squeeze %dma_start3A_790 : memref<1x1x128xf32, #tpu.memory_space<hbm>> -> memref<128xf32, #tpu.memory_space<hbm>>
      %dma_start3A_792 = arith.constant 0 : i32
      %dma_start3A_793 = tpu.memref_slice %arg6[%add3A_785, %dma_start3A_792] : memref<512x128xf32, #tpu.memory_space<vmem>> -> memref<1x128xf32, #tpu.memory_space<vmem>>
      %dma_start3A_794 = tpu.memref_squeeze %dma_start3A_793 : memref<1x128xf32, #tpu.memory_space<vmem>> -> memref<128xf32, #tpu.memory_space<vmem>>
      %dma_start3A_795 = arith.constant 0 : i32
      %dma_start3A_796 = tpu.memref_slice %arg2[%shift_right_arithmetic3A_779, %and3A_781, %dma_start3A_795] : memref<977x8x128xf32, #tpu.memory_space<hbm>> -> memref<1x1x128xf32, #tpu.memory_space<hbm>>
      %dma_start3A_797 = tpu.memref_squeeze %dma_start3A_796 : memref<1x1x128xf32, #tpu.memory_space<hbm>> -> memref<128xf32, #tpu.memory_space<hbm>>
      tpu.enqueue_dma source(%dma_start3A_797 : memref<128xf32, #tpu.memory_space<hbm>>) target(%dma_start3A_794 : memref<128xf32, #tpu.memory_space<vmem>>) target_semaphore(%arg7 : memref<!tpu.dma_semaphore, #tpu.memory_space<semaphore_mem>>)
      %sub3A = arith.constant 1 : i32
      %sub3A_798 = arith.subi %scan3A_407, %sub3A : i32
      %mul3A_799 = arith.constant 16 : i32
      %mul3A_800 = arith.muli %sub3A_798, %mul3A_799 : i32
      %dma_wait3A_801 = arith.constant 0 : i32
      %dma_wait3A_802 = tpu.memref_slice %arg6[%mul3A_800, %dma_wait3A_801] : memref<512x128xf32, #tpu.memory_space<vmem>> -> memref<16x128xf32, #tpu.memory_space<vmem>>
      %dma_wait3A_803 = arith.constant 0 : i32
      %dma_wait3A_804 = arith.constant 0 : i32
      %dma_wait3A_805 = tpu.memref_slice %arg4[%dma_wait3A_803, %dma_wait3A_804] : memref<16384x128xf32, #tpu.memory_space<hbm>> -> memref<16x128xf32, #tpu.memory_space<hbm>>
      %dma_wait3A_806 = arith.constant 0 : i32
      %dma_wait3A_807 = tpu.memref_slice %arg6[%mul3A_800, %dma_wait3A_806] : memref<512x128xf32, #tpu.memory_space<vmem>> -> memref<16x128xf32, #tpu.memory_space<vmem>>
      %dma_wait3A_808 = arith.constant 0 : i32
      %dma_wait3A_809 = arith.constant 0 : i32
      %dma_wait3A_810 = tpu.memref_slice %arg4[%dma_wait3A_808, %dma_wait3A_809] : memref<16384x128xf32, #tpu.memory_space<hbm>> -> memref<16x128xf32, #tpu.memory_space<hbm>>
      tpu.wait_dma2 semaphore(%arg7 : memref<!tpu.dma_semaphore, #tpu.memory_space<semaphore_mem>>) src(%dma_wait3A_810 : memref<16x128xf32, #tpu.memory_space<hbm>>) dst(%dma_wait3A_807 : memref<16x128xf32, #tpu.memory_space<vmem>>)
      %scan3A_811 = arith.constant 0 : i32
      scf.yield %scan3A_811 : i32
    }
    %scan3A_393 = arith.constant 31 : i32
    %dma_wait3A = arith.constant 496 : i32
    %dma_wait3A_394 = arith.constant 0 : i32
    %dma_wait3A_395 = tpu.memref_slice %arg6[%dma_wait3A, %dma_wait3A_394] : memref<512x128xf32, #tpu.memory_space<vmem>> -> memref<16x128xf32, #tpu.memory_space<vmem>>
    %dma_wait3A_396 = arith.constant 0 : i32
    %dma_wait3A_397 = arith.constant 0 : i32
    %dma_wait3A_398 = tpu.memref_slice %arg4[%dma_wait3A_396, %dma_wait3A_397] : memref<16384x128xf32, #tpu.memory_space<hbm>> -> memref<16x128xf32, #tpu.memory_space<hbm>>
    %dma_wait3A_399 = arith.constant 496 : i32
    %dma_wait3A_400 = arith.constant 0 : i32
    %dma_wait3A_401 = tpu.memref_slice %arg6[%dma_wait3A_399, %dma_wait3A_400] : memref<512x128xf32, #tpu.memory_space<vmem>> -> memref<16x128xf32, #tpu.memory_space<vmem>>
    %dma_wait3A_402 = arith.constant 0 : i32
    %dma_wait3A_403 = arith.constant 0 : i32
    %dma_wait3A_404 = tpu.memref_slice %arg4[%dma_wait3A_402, %dma_wait3A_403] : memref<16384x128xf32, #tpu.memory_space<hbm>> -> memref<16x128xf32, #tpu.memory_space<hbm>>
    tpu.wait_dma2 semaphore(%arg7 : memref<!tpu.dma_semaphore, #tpu.memory_space<semaphore_mem>>) src(%dma_wait3A_404 : memref<16x128xf32, #tpu.memory_space<hbm>>) dst(%dma_wait3A_401 : memref<16x128xf32, #tpu.memory_space<vmem>>)
    %mul3A_405 = arith.constant 512 : i32
    %mul3A_406 = arith.muli %add3A, %mul3A_405 : i32
    "tpu.region"() ({
      %run_scoped3A = tpu.sem_alloc : memref<!tpu.dma_semaphore, #tpu.memory_space<semaphore_mem>>
      %dma_start3A_407 = arith.constant 0 : i32
      %dma_start3A_408 = tpu.memref_slice %arg4[%mul3A_406, %dma_start3A_407] : memref<16384x128xf32, #tpu.memory_space<hbm>> -> memref<512x128xf32, #tpu.memory_space<hbm>>
      %dma_start3A_409 = arith.constant 0 : i32
      %dma_start3A_410 = tpu.memref_slice %arg4[%mul3A_406, %dma_start3A_409] : memref<16384x128xf32, #tpu.memory_space<hbm>> -> memref<512x128xf32, #tpu.memory_space<hbm>>
      tpu.enqueue_dma source(%arg6 : memref<512x128xf32, #tpu.memory_space<vmem>>) target(%dma_start3A_410 : memref<512x128xf32, #tpu.memory_space<hbm>>) target_semaphore(%run_scoped3A : memref<!tpu.dma_semaphore, #tpu.memory_space<semaphore_mem>>)
      %dma_wait3A_411 = arith.constant 0 : i32
      %dma_wait3A_412 = tpu.memref_slice %arg4[%mul3A_406, %dma_wait3A_411] : memref<16384x128xf32, #tpu.memory_space<hbm>> -> memref<512x128xf32, #tpu.memory_space<hbm>>
      %dma_wait3A_413 = arith.constant 0 : i32
      %dma_wait3A_414 = tpu.memref_slice %arg4[%mul3A_406, %dma_wait3A_413] : memref<16384x128xf32, #tpu.memory_space<hbm>> -> memref<512x128xf32, #tpu.memory_space<hbm>>
      tpu.wait_dma2 semaphore(%run_scoped3A : memref<!tpu.dma_semaphore, #tpu.memory_space<semaphore_mem>>) src(%arg6 : memref<512x128xf32, #tpu.memory_space<vmem>>) dst(%dma_wait3A_414 : memref<512x128xf32, #tpu.memory_space<hbm>>)
      tpu.yield
    }) : () -> ()
    return
  }
}

module attributes {stable_mosaic.version = 14 : i64} {
  func.func @_k1_body(%arg0: i32, %arg1: memref<64x8192xf32, #tpu.memory_space<vmem>>, %arg2: memref<64x128xf32, #tpu.memory_space<vmem>>, %arg3: memref<128x1xf32, #tpu.memory_space<vmem>>, %arg4: memref<128x1xf32, #tpu.memory_space<vmem>>, %arg5: memref<1x1xf32, #tpu.memory_space<vmem>>, %arg6: memref<1x8192xf32, #tpu.memory_space<vmem>>) attributes {dimension_semantics = [#tpu.dimension_semantics<arbitrary>], iteration_bounds = array<i64: 123>, scalar_prefetch = 0 : i64, scratch_operands = 0 : i64, tpu.core_type = #tpu.core_type<tc>, window_params = [{transform_indices = @transform_0, window_bounds = array<i64: 64, 8192>}, {pipeline_mode = #tpu.pipeline_mode<synchronous>, transform_indices = @transform_1, window_bounds = array<i64: 64, 128>}, {pipeline_mode = #tpu.pipeline_mode<synchronous>, transform_indices = @transform_2, window_bounds = array<i64: 128, 1>}, {pipeline_mode = #tpu.pipeline_mode<synchronous>, transform_indices = @transform_3, window_bounds = array<i64: 128, 1>}, {pipeline_mode = #tpu.pipeline_mode<synchronous>, transform_indices = @transform_4, window_bounds = array<i64: 1, 1>}, {transform_indices = @transform_5, window_bounds = array<i64: 1, 8192>}]} {
    %get3A = arith.constant 0 : index
    %get3A_0 = arith.constant 0 : index
    %get3A_1 = vector.load %arg2[%get3A, %get3A_0] : memref<64x128xf32, #tpu.memory_space<vmem>>, vector<64x128xf32>
    %get3A_2 = arith.constant 0 : index
    %get3A_3 = arith.constant 0 : index
    %get3A_4 = vector.load %arg1[%get3A_2, %get3A_3] : memref<64x8192xf32, #tpu.memory_space<vmem>>, vector<64x8192xf32>
    %dot_general3A = arith.constant dense<0.000000e+00> : vector<128x8192xf32>
    %dot_general3A_5 = tpu.matmul %get3A_1, %get3A_4, %dot_general3A {dimension_numbers = #tpu.dot_dimension_numbers<[0], [0], [1], [1], [0, 1, 1, 1], [], []>, transpose_lhs_hint = false} : vector<64x128xf32>, vector<64x8192xf32>, vector<128x8192xf32> -> vector<128x8192xf32>
    %get3A_6 = arith.constant 0 : index
    %get3A_7 = arith.constant 0 : index
    %get3A_8 = vector.load %arg3[%get3A_6, %get3A_7] : memref<128x1xf32, #tpu.memory_space<vmem>>, vector<128x1xf32>
    %add3A = vector.broadcast %get3A_8 : vector<128x1xf32> to vector<128x8192xf32>
    %add3A_9 = arith.addf %dot_general3A_5, %add3A : vector<128x8192xf32>
    %max3A = arith.constant 0.000000e+00 : f32
    %max3A_10 = vector.broadcast %max3A : f32 to vector<128x8192xf32>
    %max3A_11 = arith.maximumf %add3A_9, %max3A_10 : vector<128x8192xf32>
    %get3A_12 = arith.constant 0 : index
    %get3A_13 = arith.constant 0 : index
    %get3A_14 = vector.load %arg4[%get3A_12, %get3A_13] : memref<128x1xf32, #tpu.memory_space<vmem>>, vector<128x1xf32>
    %dot_general3A_15 = arith.constant dense<0.000000e+00> : vector<1x8192xf32>
    %dot_general3A_16 = tpu.matmul %get3A_14, %max3A_11, %dot_general3A_15 {dimension_numbers = #tpu.dot_dimension_numbers<[0], [0], [1], [1], [0, 1, 1, 1], [], []>, transpose_lhs_hint = false} : vector<128x1xf32>, vector<128x8192xf32>, vector<1x8192xf32> -> vector<1x8192xf32>
    %get3A_17 = arith.constant 0 : index
    %get3A_18 = arith.constant 0 : index
    %get3A_19 = vector.load %arg5[%get3A_17, %get3A_18] : memref<1x1xf32, #tpu.memory_space<vmem>>, vector<1x1xf32>
    %add3A_20 = vector.broadcast %get3A_19 : vector<1x1xf32> to vector<1x8192xf32>
    %add3A_21 = arith.addf %dot_general3A_16, %add3A_20 : vector<1x8192xf32>
    %logistic3A = arith.negf %add3A_21 : vector<1x8192xf32>
    %logistic3A_22 = math.exp %logistic3A : vector<1x8192xf32>
    %logistic3A_23 = arith.constant 1.000000e+00 : f32
    %logistic3A_24 = vector.broadcast %logistic3A_23 : f32 to vector<1x8192xf32>
    %logistic3A_25 = arith.addf %logistic3A_24, %logistic3A_22 : vector<1x8192xf32>
    %logistic3A_26 = arith.divf %logistic3A_24, %logistic3A_25 : vector<1x8192xf32>
    %swap3A = arith.constant 0 : index
    %swap3A_27 = arith.constant 0 : index
    %swap3A_28 = vector.load %arg6[%swap3A, %swap3A_27] : memref<1x8192xf32, #tpu.memory_space<vmem>>, vector<1x8192xf32>
    tpu.vector_store %arg6[%swap3A, %swap3A_27], %logistic3A_26 {strides = array<i32>} : memref<1x8192xf32, #tpu.memory_space<vmem>>, vector<1x8192xf32>,
    return
  }
  func.func @transform_0(%arg0: i32) -> (i32, i32) {
    %c0_i32 = arith.constant 0 : i32
    %c0_i32_0 = arith.constant 0 : i32
    return %c0_i32, %arg0 : i32, i32
  }
  func.func @transform_1(%arg0: i32) -> (i32, i32) {
    %c0_i32 = arith.constant 0 : i32
    %c0_i32_0 = arith.constant 0 : i32
    %c0_i32_1 = arith.constant 0 : i32
    return %c0_i32, %c0_i32_0 : i32, i32
  }
  func.func @transform_2(%arg0: i32) -> (i32, i32) {
    %c0_i32 = arith.constant 0 : i32
    %c0_i32_0 = arith.constant 0 : i32
    %c0_i32_1 = arith.constant 0 : i32
    return %c0_i32, %c0_i32_0 : i32, i32
  }
  func.func @transform_3(%arg0: i32) -> (i32, i32) {
    %c0_i32 = arith.constant 0 : i32
    %c0_i32_0 = arith.constant 0 : i32
    %c0_i32_1 = arith.constant 0 : i32
    return %c0_i32, %c0_i32_0 : i32, i32
  }
  func.func @transform_4(%arg0: i32) -> (i32, i32) {
    %c0_i32 = arith.constant 0 : i32
    %c0_i32_0 = arith.constant 0 : i32
    %c0_i32_1 = arith.constant 0 : i32
    return %c0_i32, %c0_i32_0 : i32, i32
  }
  func.func @transform_5(%arg0: i32) -> (i32, i32) {
    %c0_i32 = arith.constant 0 : i32
    %c0_i32_0 = arith.constant 0 : i32
    return %c0_i32, %arg0 : i32, i32
  }
}

module attributes {stable_mosaic.version = 14 : i64} {
  func.func @_k2_body(%arg0: i32, %arg1: memref<4096x128xf32, #tpu.memory_space<vmem>>, %arg2: memref<4096x1xi32, #tpu.memory_space<vmem>>, %arg3: memref<4096x1xf32, #tpu.memory_space<vmem>>) attributes {dimension_semantics = [#tpu.dimension_semantics<arbitrary>], iteration_bounds = array<i64: 4>, scalar_prefetch = 0 : i64, scratch_operands = 0 : i64, tpu.core_type = #tpu.core_type<tc>, window_params = [{transform_indices = @transform_0, window_bounds = array<i64: 4096, 128>}, {transform_indices = @transform_1, window_bounds = array<i64: 4096, 1>}, {transform_indices = @transform_2, window_bounds = array<i64: 4096, 1>}]} {
    %iota3A = tpu.iota {dimensions = array<i32: 1>} : vector<1x128xi32>
    %get3A = arith.constant 0 : index
    %get3A_0 = arith.constant 0 : index
    %get3A_1 = vector.load %arg2[%get3A, %get3A_0] : memref<4096x1xi32, #tpu.memory_space<vmem>>, vector<4096x1xi32>
    %eq3A = vector.broadcast %get3A_1 : vector<4096x1xi32> to vector<4096x128xi32>
    %eq3A_2 = vector.broadcast %iota3A : vector<1x128xi32> to vector<4096x128xi32>
    %eq3A_3 = arith.cmpi eq, %eq3A, %eq3A_2 : vector<4096x128xi32>
    %get3A_4 = arith.constant 0 : index
    %get3A_5 = arith.constant 0 : index
    %get3A_6 = vector.load %arg1[%get3A_4, %get3A_5] : memref<4096x128xf32, #tpu.memory_space<vmem>>, vector<4096x128xf32>
    %jit3A = arith.constant 0.000000e+00 : f32
    %broadcast_in_dim3A = vector.broadcast %jit3A : f32 to vector<4096x128xf32>
    %select_n3A = arith.select %eq3A_3, %get3A_6, %broadcast_in_dim3A : vector<4096x128xi1>, vector<4096x128xf32>
    %reduce_sum3A = arith.constant dense<0.000000e+00> : vector<4096xf32>
    %reduce_sum3A_7 = vector.multi_reduction <add>, %select_n3A, %reduce_sum3A [1] : vector<4096x128xf32> to vector<4096xf32>
    %broadcast_in_dim3A_8 = vector.shape_cast %reduce_sum3A_7 : vector<4096xf32> to vector<4096x1xf32>
    %swap3A = arith.constant 0 : index
    %swap3A_9 = arith.constant 0 : index
    %swap3A_10 = vector.load %arg3[%swap3A, %swap3A_9] : memref<4096x1xf32, #tpu.memory_space<vmem>>, vector<4096x1xf32>
    tpu.vector_store %arg3[%swap3A, %swap3A_9], %broadcast_in_dim3A_8 {strides = array<i32>} : memref<4096x1xf32, #tpu.memory_space<vmem>>, vector<4096x1xf32>,
    return
  }
  func.func @transform_0(%arg0: i32) -> (i32, i32) {
    %c0_i32 = arith.constant 0 : i32
    %c0_i32_0 = arith.constant 0 : i32
    return %arg0, %c0_i32 : i32, i32
  }
  func.func @transform_1(%arg0: i32) -> (i32, i32) {
    %c0_i32 = arith.constant 0 : i32
    %c0_i32_0 = arith.constant 0 : i32
    return %arg0, %c0_i32 : i32, i32
  }
  func.func @transform_2(%arg0: i32) -> (i32, i32) {
    %c0_i32 = arith.constant 0 : i32
    %c0_i32_0 = arith.constant 0 : i32
    return %arg0, %c0_i32 : i32, i32
  }
}

</mosaic_0001>

<sc_bundles>
// kernel: kernel.5.cloned.1.call-start
scs
__scs_entry_jumppad:
0x0: {  	(pc) =	sbr.rel $0x88, $3  }
0x1: {  	(tag) =	ssettag $0x0;
	lr =	simm.s32 $0x1  }
0x2: {  	[smem:$0x3F9B] =	sst lr;
	_ =	strace $0xD0000000  }
0x3: {  	_ = 	snop  }
0x4: {  	_ = 	snop  }
0x5: {  	_ = 	snop  }
0x6: {  	_ = 	snop  }
0x7: {  	_ = 	snop  }
__scs_overlays_trampoline_lowered:
0x8: {  	[smem:$0x3FAA] =	sst s0  }
0x9: {  	[smem:$0x3FAB] =	sst s1  }
0xa: {  	[smem:$0x3FAC] =	sst s2  }
0xb: {  	[smem:$0x3FAD] =	sst s3  }
0xc: {  	[smem:$0x3FAE] =	sst s4  }
0xd: {  	[smem:$0x3FAF] =	sst s5  }
0xe: {  	[smem:$0x3FB0] =	sst s6  }
0xf: {  	[smem:$0x3FB1] =	sst s7  }
0x10: {  	[smem:$0x3FB2] =	sst s8  }
0x11: {  	[smem:$0x3FB3] =	sst s9;
	s0 =	simm.s32 @!p0 $0x0  }
0x12: {  	s1 =	sld [smem:$0x3F99];
	s0 =	simm.s32 @p0 $0x1  }
0x13: {  	[smem:$0x3FB4] =	sst s0;
	s0 =	simm.s32 @!p1 $0x0  }
0x14: {  	s2 =	sld [smem:$0x3F98];
	s0 =	simm.s32 @p1 $0x1  }
0x15: {  	[smem:$0x3FB5] =	sst s0;
	s0 =	simm.s32 @!p2 $0x0  }
0x16: {  	s3 =	sld [smem:$0x3FDB];
	s0 =	simm.s32 @p2 $0x1  }
0x17: {  	s4 =	simm.s32 $0x1BF5;
	[smem:$0x3FB7] =	sst s0  }
0x18: {  	s0 =	sld [smem:$0x3F9A];
	_ =	swait.ge [sflag:s4], $0x0  }
0x19: {  	s7 =	sld [smem:$0x3F9B]  }
0x1a: {  	s8 =	sadd.s32 $0xFFFFE003, lr  }
0x1b: {  	s9 =	sadd.s32 $0xFFFFFEF7, lr;
	s5 =	simm.s32 $0xFFFFFFFF;
	p2 =	slt.u32 s8, $0xFFFFF086  }
0x1c: {  	p1 =	slt.u32 s9, $0xF7A;
	s5 =	simm.s32 @!p2 $0x0  }
0x1d: {  	s5 =	simm.s32 @p1 $0x1;
	p0 =	seq.s32 s7, s2  }
0x1e: {  	s7 =	smul.u32 @!p0 $0xF7A, s2;
	p2 =	seq.s32 @!p0 s5, $0x0  }
0x1f: {  	s9 =	smul.u32 $0xF7A, s1;
	s8 =	simm.s32 @!p0 $0x1BF5;
	p2 =	por !p2, p0  }
0x20: {  	[sflag:s8] =	ssyncset.s32 @!p0 $0xFFFFF086;
	s6 =	sadd.s32 @!p0 s3, s7;
	s7 =	simm.s32 @!p0 $0x108  }
0x21: {  	s3 =	sadd.s32 s3, s9;
	s6 =	sadd.s32 @!p0 $0x88, s6;
	s7 =	simm.s32 @p2 $0x1082  }
0x22: {  	[simem:s7], [sflag:s8] =	dma.local @!p0 [hbm:s6], $0xF7A  }
0x23: {  	s9 =	sor.u32 $0xD0000000, s2;
	s6 =	simm.s32 $0x108;
	_ =	swait.ge @!p0 [sflag:s8], $0x0  }
0x24: {  	s3 =	sadd.s32 $0x88, s3;
	s6 =	simm.s32 @!p1 $0x1082;
	[sflag:s4] =	ssyncset.s32 $0xFFFFF086  }
0x25: {  	[simem:s6], [sflag:s4] =	dma.local [hbm:s3], $0xF7A  }
0x26: {  	[smem:$0x3F9B] =	sst s1;
	(tag) =	ssettag s2;
	_ =	strace s9  }
0x27: {  	s1 =	sld [smem:$0x3FAB]  }
0x28: {  	s2 =	sld [smem:$0x3FAC]  }
0x29: {  	s4 =	sld [smem:$0x3FAE]  }
0x2a: {  	p0 =	seq.s32 s5, $0x0;
	s5 =	sld [smem:$0x3FAF]  }
0x2b: {  	s6 =	sld [smem:$0x3FB0]  }
0x2c: {  	s7 =	sld [smem:$0x3FB1]  }
0x2d: {  	s3 =	simm.s32 $0x108;
	s8 =	sld [smem:$0x3FB2]  }
0x2e: {  	s3 =	simm.s32 @!p0 $0x1082;
	s9 =	sld [smem:$0x3FB3]  }
0x2f: {  	lr =	sadd.s32 s0, s3;
	s0 =	sld [smem:$0x3FAA]  }
0x30: {  	s3 =	sld [smem:$0x3FAD]  }
0x31: {  	[smem:$0x3FB6] =	sst s10  }
0x32: {  	s10 =	sld [smem:$0x3FB4];
	_ =	sdelay $0x3  }
0x33: {  	p0 =	seq.s32 s10, $0x1;
	s10 =	sld [smem:$0x3FB6];
	_ =	sdelay $0x3  }
0x34: {  	[smem:$0x3FB6] =	sst s10  }
0x35: {  	s10 =	sld [smem:$0x3FB5];
	_ =	sdelay $0x3  }
0x36: {  	p1 =	seq.s32 s10, $0x1;
	s10 =	sld [smem:$0x3FB6];
	_ =	sdelay $0x3  }
0x37: {  	[smem:$0x3FB6] =	sst s10  }
0x38: {  	s10 =	sld [smem:$0x3FB7]  }
0x39: {  	_ = 	snop;
	(pc) =	sbr.ind lr, $3  }
0x3a: {  	_ = 	snop  }
0x3b: {  	_ = 	snop  }
0x3c: {  	p2 =	seq.s32 s10, $0x1;
	s10 =	sld [smem:$0x3FB6]  }
0x3d: {  	_ =	shalt  }
0x3e: {  	_ =	shalt  }
0x3f: {  	_ =	shalt  }
0x40: {  	_ =	shalt  }
0x41: {  	_ =	shalt  }
0x42: {  	_ =	shalt  }
0x43: {  	_ =	shalt  }
0x44: {  	_ =	shalt  }
0x45: {  	_ =	shalt  }
0x46: {  	_ =	shalt  }
0x47: {  	_ =	shalt  }
0x48: {  	_ =	shalt  }
0x49: {  	_ =	shalt  }
0x4a: {  	_ =	shalt  }
0x4b: {  	_ =	shalt  }
0x4c: {  	_ =	shalt  }
0x4d: {  	_ =	shalt  }
0x4e: {  	_ =	shalt  }
0x4f: {  	_ =	shalt  }
0x50: {  	_ =	shalt  }
0x51: {  	_ =	shalt  }
0x52: {  	_ =	shalt  }
0x53: {  	_ =	shalt  }
0x54: {  	_ =	shalt  }
0x55: {  	_ =	shalt  }
0x56: {  	_ =	shalt  }
0x57: {  	_ =	shalt  }
0x58: {  	_ =	shalt  }
0x59: {  	_ =	shalt  }
0x5a: {  	_ =	shalt  }
0x5b: {  	_ =	shalt  }
0x5c: {  	_ =	shalt  }
0x5d: {  	_ =	shalt  }
0x5e: {  	_ =	shalt  }
0x5f: {  	_ =	shalt  }
0x60: {  	_ =	shalt  }
0x61: {  	_ =	shalt  }
0x62: {  	_ =	shalt  }
0x63: {  	_ =	shalt  }
0x64: {  	_ =	shalt  }
0x65: {  	_ =	shalt  }
0x66: {  	_ =	shalt  }
0x67: {  	_ =	shalt  }
0x68: {  	_ =	shalt  }
0x69: {  	_ =	shalt  }
0x6a: {  	_ =	shalt  }
0x6b: {  	_ =	shalt  }
0x6c: {  	_ =	shalt  }
0x6d: {  	_ =	shalt  }
0x6e: {  	_ =	shalt  }
0x6f: {  	_ =	shalt  }
0x70: {  	_ =	shalt  }
0x71: {  	_ =	shalt  }
0x72: {  	_ =	shalt  }
0x73: {  	_ =	shalt  }
0x74: {  	_ =	shalt  }
0x75: {  	_ =	shalt  }
0x76: {  	_ =	shalt  }
0x77: {  	_ =	shalt  }
0x78: {  	_ =	shalt  }
0x79: {  	_ =	shalt  }
0x7a: {  	_ =	shalt  }
0x7b: {  	_ =	shalt  }
0x7c: {  	_ =	shalt  }
0x7d: {  	_ =	shalt  }
0x7e: {  	_ =	shalt  }
0x7f: {  	_ =	shalt  }
0x80: {  	_ =	shalt  }
0x81: {  	_ =	shalt  }
0x82: {  	_ =	shalt  }
0x83: {  	_ =	shalt  }
0x84: {  	_ =	shalt  }
0x85: {  	_ =	shalt  }
0x86: {  	_ =	shalt  }
0x87: {  	_ =	shalt  }
.Lfunc_end0:
.L_simem_size_0:
called_computation_lowered:
.L_overlay_start_0:
0x88: {  	s2 =	sld [smem:$0x3FD9]  }
0x89: {  	s3 =	sld [smem:$0x3FFE];
	_ =	sdelay $0x1  }
0x8a: {  	s1 =	srdreg.scid  }
0x8b: {  	s0 =	sand.u32 $0x1, s1  }
0x8c: {  	s17 =	sshll.u32 s0, $0xA;
	s2 =	sadd.s32 s3, s2  }
0x8d: {  	s2 =	sadd.s32 s2, s17  }
0x8e: {  	[smem:$0x3FC2] =	sst s2  }
0x8f: {  	_ = 	snop  }
0x90: {  	s2 =	sld [smem:$0x3FD0];
	(tm) =	ssettm $0x1  }
0x91: {  	s18 =	sld [smem:$0x3FFB];
	_ =	sdelay $0x3  }
0x92: {  	_ =	strace s18  }
0x93: {  	s3 =	sld [smem:$0x3FFC];
	_ =	sdelay $0x3  }
0x94: {  	_ =	strace s3  }
0x95: {  	s3 =	sld [smem:$0x3FFD];
	_ =	sdelay $0x3  }
0x96: {  	_ =	strace s3  }
0x97: {  	_ =	strace $0x8FFFFFFF  }
0x98: {  	s19 =	sld [smem:$0x3FDB];
	_ =	sdelay $0x1  }
0x99: {  	s4 =	simm.s32 $_scs_section_size  }
0x9a: {  	s5 =	simm.s32 $_size__tile_overlayer_lowered;
	s6 =	simm.s32 $_tile_overlayer_lowered  }
0x9b: {  	s22 =	simm.s32 $0x1BFF;
	s21 =	sshll.u32 s6, $0x1;
	s3 =	sadd.s32 s4, s19  }
0x9c: {  	s7 =	simm.s32 $0x0;
	s20 =	sshll.u32 s5, $0x1;
	s5 =	sadd.s32 s21, s3  }
0x9d: {  	[timem:s7], [sflag:s22] =	dma.local [hbm:s5], s20  }
0x9e: {  	_ =	swait.ge [sflag:s22], s20  }
0x9f: {  	s4 =	ssub.s32 $0x0, s20;
	[sflag:s22] =	ssyncset.done $0x0  }
0xa0: {  	[sflag:s22] =	ssyncadd.s32 s4;
	_ =	sdelay $0x1  }
0xa1: {  	s23 =	simm.s32 $0x1B8B  }
0xa2: {  	_ =	swait.ge [sflag:s23], $0x1  }
0xa3: {  	[sflag:s23] =	ssyncset.done $0x0  }
0xa4: {  	s25 =	simm.s32 $0x1B8E;
	s24 =	sld [smem:$0x3FFE];
	[sflag:s23] =	ssyncadd.s32 $0xFFFFFFFF  }
0xa5: {  	s26 =	simm.s32 $execute0_lowered;
	[smem:$0x3FD2] =	sst s25  }
0xa6: {  	s5 =	sshll.u32 s26, $0x1;
	_ =	strace $0x80000046;
	[dreg:$0x1] =	wrdreg $0xFFFFFFFF  }
0xa7: {  	s28 =	simm.s32 $_size_execute0_lowered;
	s3 =	sadd.s32 s3, s5;
	[dreg:$0x0] =	wrdreg $0x0  }
0xa8: {  	s5 =	sshll.u32 s28, $0x1;
	[dreg:$0x2] =	wrdreg s3  }
0xa9: {  	[dreg:$0x3] =	wrdreg s5  }
0xaa: {  	[dreg:$0x4] =	wrdreg $0xC0  }
0xab: {  	_ =	task [dreg:s7], $0x5FFFF  }
0xac: {  	[dreg:$0x1] =	wrdreg $0xFFFFFFFF  }
0xad: {  	[dreg:$0x0] =	wrdreg $0x60  }
0xae: {  	[dreg:$0x2] =	wrdreg s24  }
0xaf: {  	[dreg:$0x3] =	wrdreg s2  }
0xb0: {  	[dreg:$0x4] =	wrdreg $0x9  }
0xb1: {  	_ =	task.clear_ibuf [dreg:s7], $0x5FFFF;
	_ =	strace $0x90000046  }
0xb2: {  	s29 =	simm.s32 $0x9;
	_ =	strace $0x80000048  }
0xb3: {  	_ =	swait.ge [sflag:s29], $0x1  }
0xb4: {  	[sflag:s29] =	ssyncadd.s32 $0xFFFFFFFF  }
0xb5: {  	_ =	strace $0x90000048  }
0xb6: {  	_ =	sfence  }
0xb7: {  	s30 =	sld [smem:$0x0];
	_ =	sdelay $0x2  }
0xb8: {  	s31 =	sshll.u32 s1, $0xD;
	s1 =	sshrl.u32 s1, $0x2  }
0xb9: {  	s3 =	sand.u32 $0x4000, s31;
	s1 =	sadd.s32 s1, s30  }
0xba: {  	s0 =	sor.u32 s3, s0;
	s1 =	sshll.u32 s1, $0x11  }
0xbb: {  	s0 =	sor.u32 s1, s0  }
0xbc: {  	s0 =	sadd.s32 $0x8F2B, s0  }
0xbd: {  	[sflag:s0] =	ssyncadd.remote.s32 $0x1  }
0xbe: {  	_ =	sfence.sel $0xFFFF  }
0xbf: {  	[dreg:$0x0] =	wrdreg $0xFFFFFFFF;
	(pc) =	sbr.abs _section_cstart, $3  }
0xc0: {  	[dreg:$0x1] =	wrdreg $0xFFFFFFFF  }
0xc1: {  	_ =	task.clear_ibuf [dreg:s7], $0x2FFFF;
	_ =	strace $0x9FFFFFFF  }
0xc2: {  	(tm) =	ssettm $0x7FFFFFFF  }
0xc3: {  	_ =	shalt  }
tec
execute0_lowered:
.L_overlay_start_1:
0x0: {  	(tag) =	ssettag $0x1  }
0x1: {  	s0 =	rddreg [dreg:$0x0]  }
0x2: {  	s1 =	rddreg [dreg:$0x1];
	s3 =	srdreg.scid  }
0x3: {  	s7 =	stileid.u32;
	s2 =	simm.s32 $0x0;
	s8 =	simm.s32 $0x400  }
0x4: {  	s9 =	simm.s32 $0x2;
	s10 =	simm.s32 $0x200;
	s24 =	simm.s32 $0x980  }
0x5: {  	s25 =	simm.s32 $0x1;
	s26 =	simm.s32 $0x0;
	s4 =	sand.u32 $0x1, s3  }
0x6: {  	s28 =	sshll.u32 s7, $0x1;
	[smem:$0x7FF] =	sst s2;
	s3 =	sadd.s32 $0xA00, s0  }
0x7: {  	s29 =	sshll.u32 s7, $0x7;
	s5 =	sor.u32 s4, s28;
	_ =	strace $0x80000047  }
0x8: {  	s4 =	ssub.s32 $0x2, s4;
	s6 =	sshll.u32 s5, $0xD;
	s5 =	sshll.u32 s5, $0x4  }
0x9: {  	s30 =	sshrl.u32 s4, $0x1;
	s0 =	sadd.s32 s6, s0;
	s6 =	sand.u32 $0x600, s29  }
0xa: {  	s5 =	sand.u32 $0x70, s5;
	s31 =	ssub.s32 s4, s30;
	s1 =	sadd.s32 s1, s6  }
0xb: {  	s6 =	smax.u32 s31, $0x1;
	s4 =	sadd.s32 s5, s1;
	s5 =	sadd.s32 $0x1F400, s0  }
.LBB2_1:
0xc: {  	s0 =	simm.s32 $0x80  }
0xd: {  	[tilespmem:s2], [sflag:$0x2] =	stream.strided.gather [hbm4b:s4+s0], $0x200, s8, s0, $0x38;
	[tilespmem:$0x10200] =	vst v63  }
0xe: {  	_ =	swait.ge [sflag:s9], $0x200  }
0xf: {  	[sflag:s9] =	ssyncset.done $0x0  }
0x10: {  	[sflag:s9] =	ssyncadd.s32 $0xFFFFFE00  }
0x11: {  	v0 =	vld [tilespmem:$0x0];
	_ =	sdelay $0x4  }
0x12: {  	v0 =	vshrl.u32 v0, $0x3  }
0x13: {  	(v2sf) =	vpush v0, $0x0;
	_ =	sdelay $0x6  }
0x14: {  	(v2sf) =	vpush v0, $0x1;
	_ =	sdelay $0x2  }
0x15: {  	(v2sf) =	vpush v0, $0x2;
	_ =	sdelay $0x2  }
0x16: {  	(v2sf) =	vpush v0, $0x3;
	_ =	sdelay $0x1  }
0x17: {  	s12 =	spop (v2sf);
	(v2sf) =	vpush v0, $0x4;
	_ =	sdelay $0x1  }
0x18: {  	(v2sf) =	vpush v0, $0x5;
	_ =	sdelay $0x1  }
0x19: {  	(v2sf) =	vpush v0, $0x6;
	_ =	sdelay $0x1  }
0x1a: {  	s0 =	sand.u32 $0x1FFFFFF0, s12  }
0x1b: {  	s13 =	spop (v2sf);
	s0 =	sadd.s32 s3, s0;
	(v2sf) =	vpush v0, $0x7  }
0x1c: {  	[tilespmem:s10], [sflag:$0x1] =	stream.linear.gather [hbm4b:s0+s2], $0x80, $0x38;
	[tilespmem:$0x10200] =	vst v63  }
0x1d: {  	s0 =	sand.u32 $0x1FFFFFF0, s13  }
0x1e: {  	s1 =	simm.s32 $0x280;
	s14 =	spop (v2sf);
	s0 =	sadd.s32 s3, s0  }
0x1f: {  	[tilespmem:s1], [sflag:$0x1] =	stream.linear.gather [hbm4b:s0+s2], $0x80, $0x38;
	[tilespmem:$0x10200] =	vst v63  }
0x20: {  	s0 =	sand.u32 $0x1FFFFFF0, s14  }
0x21: {  	s15 =	simm.s32 $0x300;
	s16 =	spop (v2sf);
	s0 =	sadd.s32 s3, s0  }
0x22: {  	[tilespmem:s15], [sflag:$0x1] =	stream.linear.gather [hbm4b:s0+s2], $0x80, $0x38;
	[tilespmem:$0x10200] =	vst v63  }
0x23: {  	s18 =	spop (v2sf);
	(v2sf) =	vpush v0, $0x8  }
0x24: {  	s0 =	sand.u32 $0x1FFFFFF0, s16  }
0x25: {  	s17 =	simm.s32 $0x380;
	s0 =	sadd.s32 s3, s0;
	s19 =	spop (v2sf);
	(v2sf) =	vpush v0, $0x9  }
0x26: {  	[tilespmem:s17], [sflag:$0x1] =	stream.linear.gather [hbm4b:s0+s2], $0x80, $0x38;
	[tilespmem:$0x10200] =	vst v63  }
0x27: {  	s0 =	sand.u32 $0x1FFFFFF0, s18;
	s21 =	spop (v2sf);
	(v2sf) =	vpush v0, $0xA  }
0x28: {  	s0 =	sadd.s32 s3, s0  }
0x29: {  	[tilespmem:s8], [sflag:$0x1] =	stream.linear.gather [hbm4b:s0+s2], $0x80, $0x38;
	[tilespmem:$0x10200] =	vst v63  }
0x2a: {  	s23 =	spop (v2sf);
	(v2sf) =	vpush v0, $0xB  }
0x2b: {  	s0 =	sand.u32 $0x1FFFFFF0, s19  }
0x2c: {  	s20 =	simm.s32 $0x480;
	s0 =	sadd.s32 s3, s0  }
0x2d: {  	[tilespmem:s20], [sflag:$0x1] =	stream.linear.gather [hbm4b:s0+s2], $0x80, $0x38;
	[tilespmem:$0x10200] =	vst v63  }
0x2e: {  	s0 =	sand.u32 $0x1FFFFFF0, s21  }
0x2f: {  	s22 =	simm.s32 $0x500;
	s0 =	sadd.s32 s3, s0  }
0x30: {  	[tilespmem:s22], [sflag:$0x1] =	stream.linear.gather [hbm4b:s0+s2], $0x80, $0x38;
	[tilespmem:$0x10200] =	vst v63  }
0x31: {  	s0 =	sand.u32 $0x1FFFFFF0, s23  }
0x32: {  	s31 =	simm.s32 $0x580;
	s0 =	sadd.s32 s3, s0;
	s7 =	spop (v2sf);
	(v2sf) =	vpush v0, $0xC  }
0x33: {  	[tilespmem:s31], [sflag:$0x1] =	stream.linear.gather [hbm4b:s0+s2], $0x80, $0x38;
	[tilespmem:$0x10200] =	vst v63  }
0x34: {  	s12 =	spop (v2sf);
	(v2sf) =	vpush v0, $0xD  }
0x35: {  	s0 =	sand.u32 $0x1FFFFFF0, s7  }
0x36: {  	s11 =	simm.s32 $0x600;
	s0 =	sadd.s32 s3, s0;
	s14 =	spop (v2sf)  }
0x37: {  	(v2sf) =	vpush v0, $0xE;
	[tilespmem:s11], [sflag:$0x1] =	stream.linear.gather [hbm4b:s0+s2], $0x80, $0x38;
	[tilespmem:$0x10200] =	vst v63  }
0x38: {  	s0 =	sand.u32 $0x1FFFFFF0, s12  }
0x39: {  	s13 =	simm.s32 $0x680;
	s16 =	spop (v2sf);
	s0 =	sadd.s32 s3, s0  }
0x3a: {  	(v2sf) =	vpush v0, $0xF;
	[tilespmem:s13], [sflag:$0x1] =	stream.linear.gather [hbm4b:s0+s2], $0x80, $0x38;
	[tilespmem:$0x10200] =	vst v63  }
0x3b: {  	s0 =	sand.u32 $0x1FFFFFF0, s14  }
0x3c: {  	s15 =	simm.s32 $0x700;
	s0 =	sadd.s32 s3, s0  }
0x3d: {  	[tilespmem:s15], [sflag:$0x1] =	stream.linear.gather [hbm4b:s0+s2], $0x80, $0x38;
	[tilespmem:$0x10200] =	vst v63  }
0x3e: {  	s0 =	sand.u32 $0x1FFFFFF0, s16  }
0x3f: {  	s17 =	simm.s32 $0x780;
	s0 =	sadd.s32 s3, s0  }
0x40: {  	[tilespmem:s17], [sflag:$0x1] =	stream.linear.gather [hbm4b:s0+s2], $0x80, $0x38;
	[tilespmem:$0x10200] =	vst v63  }
0x41: {  	s18 =	spop (v2sf)  }
0x42: {  	s0 =	sand.u32 $0x1FFFFFF0, s18  }
0x43: {  	s19 =	simm.s32 $0x800;
	s20 =	spop (v2sf);
	s0 =	sadd.s32 s3, s0  }
0x44: {  	[tilespmem:s19], [sflag:$0x1] =	stream.linear.gather [hbm4b:s0+s2], $0x80, $0x38;
	[tilespmem:$0x10200] =	vst v63  }
0x45: {  	s0 =	sand.u32 $0x1FFFFFF0, s20  }
0x46: {  	s21 =	simm.s32 $0x880;
	s22 =	spop (v2sf);
	s0 =	sadd.s32 s3, s0  }
0x47: {  	[tilespmem:s21], [sflag:$0x1] =	stream.linear.gather [hbm4b:s0+s2], $0x80, $0x38;
	[tilespmem:$0x10200] =	vst v63  }
0x48: {  	s0 =	sand.u32 $0x1FFFFFF0, s22  }
0x49: {  	s23 =	simm.s32 $0x900;
	s31 =	spop (v2sf);
	s0 =	sadd.s32 s3, s0  }
0x4a: {  	[tilespmem:s23], [sflag:$0x1] =	stream.linear.gather [hbm4b:s0+s2], $0x80, $0x38;
	[tilespmem:$0x10200] =	vst v63  }
0x4b: {  	s0 =	sand.u32 $0x1FFFFFF0, s31  }
0x4c: {  	s29 =	simm.s32 $0x10;
	s0 =	sadd.s32 s3, s0  }
0x4d: {  	[tilespmem:s24], [sflag:$0x1] =	stream.linear.gather [hbm4b:s0+s2], $0x80, $0x38;
	[tilespmem:$0x10200] =	vst v63  }
0x4e: {  	v0 =	vld [tilespmem:s29+$0x0];
	_ =	sdelay $0x4  }
0x4f: {  	v0 =	vshrl.u32 v0, $0x3  }
0x50: {  	(v2sf) =	vpush v0, $0x0  }
0x51: {  	(v2sf) =	vpush v0, $0x1  }
0x52: {  	(v2sf) =	vpush v0, $0x2;
	_ =	sdelay $0x1  }
0x53: {  	(v2sf) =	vpush v0, $0x4;
	_ =	sdelay $0x1  }
0x54: {  	(v2sf) =	vpush v0, $0x3  }
0x55: {  	(v2sf) =	vpush v0, $0x5  }
0x56: {  	s30 =	simm.s32 $0x2000;
	s28 =	simm.s32 $0x0;
	(v2sf) =	vpush v0, $0x6  }
.LBB2_2:
0x57: {  	p0 =	sne.s32 s30, $0x3C000  }
0x58: {  	s16 =	sadd.s32 $0xA80, s28;
	s7 =	sadd.s32 $0xF80, s28;
	s31 =	smov.u32 s30  }
0x59: {  	s30 =	sadd.s32 $0x2000, s30;
	s13 =	sadd.s32 $0xD80, s28;
	s0 =	sadd.s32 $0x1000, s28;
	(v2sf) =	vpush v0, $0x7  }
0x5a: {  	s15 =	sadd.s32 $0xC80, s28;
	s12 =	sadd.s32 $0xE00, s28;
	s1 =	sadd.s32 $0x1080, s28  }
0x5b: {  	s17 =	sadd.s32 $0xA00, s28;
	s18 =	sadd.s32 $0xC00, s28;
	(v2sf) =	vpush v0, $0x8  }
0x5c: {  	s19 =	sadd.s32 $0xD00, s28  }
0x5d: {  	s20 =	sadd.s32 $0xB00, s28;
	s11 =	sadd.s32 $0xF00, s28;
	s14 =	spop (v2sf);
	(v2sf) =	vpush v0, $0x9  }
0x5e: {  	s21 =	sand.u32 $0x1FFFFFF0, s14;
	s14 =	sadd.s32 $0xE80, s28;
	s22 =	spop (v2sf)  }
0x5f: {  	s21 =	sadd.s32 s3, s21;
	s22 =	sand.u32 $0x1FFFFFF0, s22;
	s23 =	spop (v2sf);
	(v2sf) =	vpush v0, $0xA  }
0x60: {  	[tilespmem:s17], [sflag:$0x1] =	stream.linear.gather [hbm4b:s21+s2], $0x80, $0x38;
	[tilespmem:$0x10200] =	vst v63  }
0x61: {  	s17 =	sadd.s32 s3, s22;
	s21 =	sadd.s32 $0xB80, s28;
	s22 =	spop (v2sf);
	(v2sf) =	vpush v0, $0xB  }
0x62: {  	[tilespmem:s16], [sflag:$0x1] =	stream.linear.gather [hbm4b:s17+s2], $0x80, $0x38;
	[tilespmem:$0x10200] =	vst v63  }
0x63: {  	s16 =	sand.u32 $0x1FFFFFF0, s23;
	s17 =	sand.u32 $0x1FFFFFF0, s22;
	s22 =	spop (v2sf);
	(v2sf) =	vpush v0, $0xC  }
0x64: {  	s16 =	sadd.s32 s3, s16;
	s22 =	sand.u32 $0x1FFFFFF0, s22;
	s23 =	spop (v2sf)  }
0x65: {  	[tilespmem:s20], [sflag:$0x1] =	stream.linear.gather [hbm4b:s16+s2], $0x80, $0x38;
	(v2sf) =	vpush v0, $0xD;
	[tilespmem:$0x10200] =	vst v63  }
0x66: {  	s16 =	sadd.s32 s3, s22;
	s20 =	sand.u32 $0x1FFFFFF0, s23;
	s22 =	spop (v2sf)  }
0x67: {  	[tilespmem:s21], [sflag:$0x1] =	stream.linear.gather [hbm4b:s16+s2], $0x80, $0x38;
	(v2sf) =	vpush v0, $0xE;
	[tilespmem:$0x10200] =	vst v63  }
0x68: {  	s16 =	sadd.s32 s3, s17;
	s17 =	sand.u32 $0x1FFFFFF0, s22;
	s21 =	spop (v2sf)  }
0x69: {  	[tilespmem:s18], [sflag:$0x1] =	stream.linear.gather [hbm4b:s16+s2], $0x80, $0x38;
	(v2sf) =	vpush v0, $0xF;
	[tilespmem:$0x10200] =	vst v63  }
0x6a: {  	s16 =	sadd.s32 s3, s20;
	s18 =	sand.u32 $0x1FFFFFF0, s21;
	s20 =	spop (v2sf)  }
0x6b: {  	[tilespmem:s15], [sflag:$0x1] =	stream.linear.gather [hbm4b:s16+s2], $0x80, $0x38;
	[tilespmem:$0x10200] =	vst v63  }
0x6c: {  	s15 =	sadd.s32 s3, s17;
	s16 =	sand.u32 $0x1FFFFFF0, s20;
	s17 =	spop (v2sf)  }
0x6d: {  	[tilespmem:s19], [sflag:$0x1] =	stream.linear.gather [hbm4b:s15+s2], $0x80, $0x38;
	[tilespmem:$0x10200] =	vst v63  }
0x6e: {  	s15 =	sadd.s32 s3, s18;
	s17 =	sand.u32 $0x1FFFFFF0, s17;
	s18 =	spop (v2sf)  }
0x6f: {  	[tilespmem:s13], [sflag:$0x1] =	stream.linear.gather [hbm4b:s15+s2], $0x80, $0x38;
	[tilespmem:$0x10200] =	vst v63  }
0x70: {  	s13 =	sadd.s32 s3, s16;
	s15 =	sand.u32 $0x1FFFFFF0, s18;
	s16 =	spop (v2sf)  }
0x71: {  	[tilespmem:s12], [sflag:$0x1] =	stream.linear.gather [hbm4b:s13+s2], $0x80, $0x38;
	[tilespmem:$0x10200] =	vst v63  }
0x72: {  	s12 =	sadd.s32 s3, s17;
	s13 =	sand.u32 $0x1FFFFFF0, s16;
	s16 =	spop (v2sf)  }
0x73: {  	[tilespmem:s14], [sflag:$0x1] =	stream.linear.gather [hbm4b:s12+s2], $0x80, $0x38;
	[tilespmem:$0x10200] =	vst v63  }
0x74: {  	s12 =	sadd.s32 s3, s15;
	s14 =	sand.u32 $0x1FFFFFF0, s16;
	s15 =	spop (v2sf)  }
0x75: {  	[tilespmem:s11], [sflag:$0x1] =	stream.linear.gather [hbm4b:s12+s2], $0x80, $0x38;
	[tilespmem:$0x10200] =	vst v63  }
0x76: {  	s11 =	sadd.s32 s3, s13;
	s12 =	sand.u32 $0x1FFFFFF0, s15;
	s13 =	spop (v2sf)  }
0x77: {  	[tilespmem:s7], [sflag:$0x1] =	stream.linear.gather [hbm4b:s11+s2], $0x80, $0x38;
	[tilespmem:$0x10200] =	vst v63  }
0x78: {  	s7 =	sadd.s32 s3, s14;
	s11 =	sand.u32 $0x1FFFFFF0, s13;
	s13 =	spop (v2sf)  }
0x79: {  	[tilespmem:s0], [sflag:$0x1] =	stream.linear.gather [hbm4b:s7+s2], $0x80, $0x38;
	[tilespmem:$0x10200] =	vst v63  }
0x7a: {  	s0 =	sadd.s32 s3, s12;
	s7 =	sand.u32 $0x1FFFFFF0, s13  }
0x7b: {  	[tilespmem:s1], [sflag:$0x1] =	stream.linear.gather [hbm4b:s0+s2], $0x80, $0x38;
	[tilespmem:$0x10200] =	vst v63  }
0x7c: {  	s29 =	sadd.s32 $0x10, s29;
	s0 =	sadd.s32 $0x1100, s28;
	s1 =	sadd.s32 s3, s11  }
0x7d: {  	[tilespmem:s0], [sflag:$0x1] =	stream.linear.gather [hbm4b:s1+s2], $0x80, $0x38;
	[tilespmem:$0x10200] =	vst v63  }
0x7e: {  	s0 =	sadd.s32 $0x1180, s28;
	s1 =	sadd.s32 s3, s7  }
0x7f: {  	[tilespmem:s0], [sflag:$0x1] =	stream.linear.gather [hbm4b:s1+s2], $0x80, $0x38;
	[tilespmem:$0x10200] =	vst v63  }
0x80: {  	_ =	swait.ge [sflag:s25], $0x800  }
0x81: {  	[sflag:s25] =	ssyncset.done $0x0  }
0x82: {  	[sflag:s25] =	ssyncadd.s32 $0xFFFFF800  }
0x83: {  	v0 =	vld [tilespmem:s29+$0x0];
	_ =	sdelay $0x4  }
0x84: {  	v0 =	vshrl.u32 v0, $0x3  }
0x85: {  	(v2sf) =	vpush v0, $0x0  }
0x86: {  	(v2sf) =	vpush v0, $0x1  }
0x87: {  	(v2sf) =	vpush v0, $0x2;
	_ =	sdelay $0x1  }
0x88: {  	(v2sf) =	vpush v0, $0x4  }
.Ltmp0:
0x89: {  	(pc) =	sbr.rel @p0 .LBB2_2-.Ltmp0, $3  }
0x8a: {  	(v2sf) =	vpush v0, $0x3  }
0x8b: {  	(v2sf) =	vpush v0, $0x5;
	_ =	sdelay $0x1  }
0x8c: {  	s28 =	sshra.s32 s31, $0x2;
	(v2sf) =	vpush v0, $0x6  }
0x8d: {  	_ =	sdelay $0x1  }
0x8e: {  	s11 =	sadd.s32 $0xA80, s28;
	s7 =	sadd.s32 $0xF80, s28  }
0x8f: {  	s12 =	sadd.s32 $0xD80, s28;
	s0 =	sadd.s32 $0x1000, s28;
	(v2sf) =	vpush v0, $0x7;
	s13 =	sadd.s32 $0xC80, s28  }
0x90: {  	s14 =	sadd.s32 $0xE00, s28;
	s1 =	sadd.s32 $0x1080, s28;
	s15 =	sadd.s32 $0xA00, s28  }
0x91: {  	s16 =	sadd.s32 $0xC00, s28;
	s17 =	sadd.s32 $0xD00, s28;
	(v2sf) =	vpush v0, $0x8;
	s18 =	spop (v2sf)  }
0x92: {  	s19 =	sadd.s32 $0xB00, s28;
	s18 =	sand.u32 $0x1FFFFFF0, s18;
	s20 =	spop (v2sf)  }
0x93: {  	(v2sf) =	vpush v0, $0x9;
	s18 =	sadd.s32 s3, s18;
	s20 =	sand.u32 $0x1FFFFFF0, s20;
	s21 =	spop (v2sf)  }
0x94: {  	[tilespmem:s15], [sflag:$0x1] =	stream.linear.gather [hbm4b:s18+s2], $0x80, $0x38;
	[tilespmem:$0x10200] =	vst v63  }
0x95: {  	(v2sf) =	vpush v0, $0xA;
	s22 =	sadd.s32 s3, s20;
	s29 =	sand.u32 $0x1FFFFFF0, s21;
	s23 =	spop (v2sf)  }
0x96: {  	[tilespmem:s11], [sflag:$0x1] =	stream.linear.gather [hbm4b:s22+s2], $0x80, $0x38;
	[tilespmem:$0x10200] =	vst v63  }
0x97: {  	s15 =	sadd.s32 $0xF00, s28;
	(v2sf) =	vpush v0, $0xB;
	s18 =	sadd.s32 s3, s29;
	s30 =	spop (v2sf)  }
0x98: {  	s11 =	sadd.s32 $0xE80, s28;
	s22 =	sadd.s32 $0xB80, s28;
	s21 =	sand.u32 $0x1FFFFFF0, s30  }
0x99: {  	(v2sf) =	vpush v0, $0xC;
	[tilespmem:s19], [sflag:$0x1] =	stream.linear.gather [hbm4b:s18+s2], $0x80, $0x38;
	[tilespmem:$0x10200] =	vst v63  }
0x9a: {  	s31 =	sand.u32 $0x1FFFFFF0, s23;
	s23 =	spop (v2sf);
	s29 =	sadd.s32 s3, s21  }
0x9b: {  	(v2sf) =	vpush v0, $0xD;
	[tilespmem:s22], [sflag:$0x1] =	stream.linear.gather [hbm4b:s29+s2], $0x80, $0x38;
	[tilespmem:$0x10200] =	vst v63  }
0x9c: {  	s18 =	sadd.s32 s3, s31;
	s19 =	sand.u32 $0x1FFFFFF0, s23;
	s30 =	spop (v2sf)  }
0x9d: {  	(v2sf) =	vpush v0, $0xE;
	[tilespmem:s16], [sflag:$0x1] =	stream.linear.gather [hbm4b:s18+s2], $0x80, $0x38;
	[tilespmem:$0x10200] =	vst v63  }
0x9e: {  	s19 =	sadd.s32 s3, s19;
	s31 =	sand.u32 $0x1FFFFFF0, s30;
	s20 =	spop (v2sf)  }
0x9f: {  	(v2sf) =	vpush v0, $0xF;
	[tilespmem:s13], [sflag:$0x1] =	stream.linear.gather [hbm4b:s19+s2], $0x80, $0x38;
	[tilespmem:$0x10200] =	vst v63  }
0xa0: {  	s21 =	sand.u32 $0x1FFFFFF0, s20;
	s22 =	spop (v2sf);
	s16 =	sadd.s32 s3, s31  }
0xa1: {  	[tilespmem:s17], [sflag:$0x1] =	stream.linear.gather [hbm4b:s16+s2], $0x80, $0x38;
	[tilespmem:$0x10200] =	vst v63  }
0xa2: {  	s23 =	sand.u32 $0x1FFFFFF0, s22;
	s13 =	sadd.s32 s3, s21;
	s29 =	spop (v2sf)  }
0xa3: {  	[tilespmem:s12], [sflag:$0x1] =	stream.linear.gather [hbm4b:s13+s2], $0x80, $0x38;
	[tilespmem:$0x10200] =	vst v63  }
0xa4: {  	s16 =	sadd.s32 s3, s23;
	s30 =	sand.u32 $0x1FFFFFF0, s29;
	s31 =	spop (v2sf)  }
0xa5: {  	[tilespmem:s14], [sflag:$0x1] =	stream.linear.gather [hbm4b:s16+s2], $0x80, $0x38;
	[tilespmem:$0x10200] =	vst v63  }
0xa6: {  	s13 =	sand.u32 $0x1FFFFFF0, s31;
	s12 =	sadd.s32 s3, s30;
	s16 =	spop (v2sf)  }
0xa7: {  	[tilespmem:s11], [sflag:$0x1] =	stream.linear.gather [hbm4b:s12+s2], $0x80, $0x38;
	[tilespmem:$0x10200] =	vst v63  }
0xa8: {  	s13 =	sadd.s32 s3, s13;
	s17 =	sand.u32 $0x1FFFFFF0, s16;
	s18 =	spop (v2sf)  }
0xa9: {  	[tilespmem:s15], [sflag:$0x1] =	stream.linear.gather [hbm4b:s13+s2], $0x80, $0x38;
	[tilespmem:$0x10200] =	vst v63  }
0xaa: {  	s11 =	sadd.s32 s3, s17;
	s12 =	sand.u32 $0x1FFFFFF0, s18;
	s19 =	spop (v2sf)  }
0xab: {  	[tilespmem:s7], [sflag:$0x1] =	stream.linear.gather [hbm4b:s11+s2], $0x80, $0x38;
	[tilespmem:$0x10200] =	vst v63  }
0xac: {  	s20 =	sand.u32 $0x1FFFFFF0, s19;
	s12 =	sadd.s32 s3, s12;
	s21 =	spop (v2sf)  }
0xad: {  	[tilespmem:s0], [sflag:$0x1] =	stream.linear.gather [hbm4b:s12+s2], $0x80, $0x38;
	[tilespmem:$0x10200] =	vst v63  }
0xae: {  	s22 =	sand.u32 $0x1FFFFFF0, s21;
	s23 =	spop (v2sf);
	s7 =	sadd.s32 s3, s20  }
0xaf: {  	[tilespmem:s1], [sflag:$0x1] =	stream.linear.gather [hbm4b:s7+s2], $0x80, $0x38;
	[tilespmem:$0x10200] =	vst v63  }
0xb0: {  	s30 =	sadd.s32 $0x1100, s28;
	s29 =	sand.u32 $0x1FFFFFF0, s23;
	s0 =	sadd.s32 s3, s22  }
0xb1: {  	[tilespmem:s30], [sflag:$0x1] =	stream.linear.gather [hbm4b:s0+s2], $0x80, $0x38;
	[tilespmem:$0x10200] =	vst v63  }
0xb2: {  	s31 =	sadd.s32 $0x1180, s28;
	s1 =	sadd.s32 s3, s29  }
0xb3: {  	[tilespmem:s31], [sflag:$0x1] =	stream.linear.gather [hbm4b:s1+s2], $0x80, $0x38;
	[tilespmem:$0x10200] =	vst v63  }
0xb4: {  	_ =	swait.ge [sflag:s25], $0x800  }
0xb5: {  	[sflag:s25] =	ssyncset.done $0x0  }
0xb6: {  	[sflag:s25] =	ssyncadd.s32 $0xFFFFF800  }
0xb7: {  	s26 =	sadd.s32 $0x1, s26;
	_ =	swait.ge [sflag:s25], $0x800  }
0xb8: {  	p0 =	sne.s32 s26, s6;
	[sflag:s25] =	ssyncset.done $0x0  }
.Ltmp1:
0xb9: {  	[sflag:s25] =	ssyncadd.s32 $0xFFFFF800;
	(pc) =	sbr.rel @p0 .LBB2_1-.Ltmp1, $4  }
0xba: {  	[hbm4b:s5+s2] =	stream.linear.scatter [tilespmem:s10], [sflag:$0x2], $0x10000, $0x38;
	[tilespmem:$0x10200] =	vst v63  }
0xbb: {  	_ =	swait.ge [sflag:s9], $0x10000  }
0xbc: {  	[sflag:s9] =	ssyncset.done $0x0  }
0xbd: {  	[sflag:s9] =	ssyncadd.s32 $0xFFFF0000  }
0xbe: {  	_ =	sfence.sel $0x180000  }
0xbf: {  	[bflag:$0x0] =	sbarrier.arrive $0xFFFF  }
0xc0: {  	_ =	strace $0x90000047  }
0xc1: {  	s0 =	stileid.u32;
	[bflag:$0x2] =	sbarrier.arrive $0xFFFF  }
0xc2: {  	p0 =	sne.s32 s0, $0x0;
	s0 =	rddreg [dreg:$0x2]  }
0xc3: {  	s0 =	sadd.s32 @!p0 $0x100000, s0  }
0xc4: {  	[sflag:s0] =	ssyncadd.tile.s32 @!p0 $0x1;
	_ =	shalt  }
.Lfunc_end2:
_tile_overlayer_lowered:
.L_overlay_start_2:
0xc5: {  	(tag) =	ssettag $0x2  }
0xc6: {  	s0 =	rddreg [dreg:$0x0];
	s2 =	stileid.u32  }
0xc7: {  	s1 =	rddreg [dreg:$0x1];
	p0 =	sne.s32 s2, $0x0  }
0xc8: {  	s3 =	rddreg [dreg:$0x2];
	[bflag:$0x3] =	sbarrier.arrive $0xFFFF;
	s2 =	simm.s32 @!p0 $0x1C02  }
0xc9: {  	[timem:s3], [sflag:s2] =	dma.local @!p0 [hbm:s0], s1  }
0xca: {  	s0 =	simm.s32 @!p0 $0x2  }
0xcb: {  	_ =	swait.ge @!p0 [sflag:s0], s1  }
0xcc: {  	s1 =	ssub.s32 @!p0 $0x0, s1;
	[sflag:s0] =	ssyncset.done @!p0 $0x0  }
0xcd: {  	[sflag:s0] =	ssyncadd.s32 @!p0 s1  }
0xce: {  	[bflag:$0x3] =	sbarrier.arrive $0xFFFF  }
0xcf: {  	_ =	shalt  }

</sc_bundles>
